<compile_context>
chip_gen: v7x
topology: tpu7x:2x2x1
jax: 0.10.2.dev20260603
libtpu: 0.0.44.dev20260713+nightly
codegen_flags: <defaults>
</compile_context>

<pallas_src>
import functools

import jax
import jax.numpy as jnp
from jax import lax
from jax.experimental import pallas as pl
from jax.experimental.pallas import tpu as pltpu
from jax.experimental.pallas import tpu_sc as plsc

NC = 2
NS = 16
NW = NC * NS
L = 16
C4 = 40
C6 = 80
NB = 5


def _mesh():
    return plsc.VectorSubcoreMesh(core_axis_name="c", subcore_axis_name="s",
                                  num_cores=NC, num_subcores=NS)


def _wid():
    return lax.axis_index("s") * NC + lax.axis_index("c")


def _tc_transform_scale(x, W1, b1, W2, hist_t):
    N, D = x.shape
    BN = 1000

    def body(x_ref, w1_ref, b1_ref, w2_ref, h_ref, y_ref):
        h = lax.dot_general(x_ref[...], w1_ref[...], (((1,), (1,)), ((), ())),
                            preferred_element_type=jnp.float32) + b1_ref[...]
        x2 = lax.dot_general(h, w2_ref[...], (((1,), (1,)), ((), ())),
                             preferred_element_type=jnp.float32)
        deg = jnp.sum(h_ref[...], axis=1, keepdims=True) + 1.0
        y_ref[...] = x2 * lax.rsqrt(deg)

    return pl.pallas_call(
        body,
        grid=(N // BN,),
        in_specs=[pl.BlockSpec((BN, D), lambda i: (i, 0)),
                  pl.BlockSpec((D, D), lambda i: (0, 0)),
                  pl.BlockSpec((1, D), lambda i: (0, 0)),
                  pl.BlockSpec((D, D), lambda i: (0, 0)),
                  pl.BlockSpec((BN, NW), lambda i: (i, 0))],
        out_specs=pl.BlockSpec((BN, D), lambda i: (i, 0)),
        out_shape=jax.ShapeDtypeStruct((N, D), jnp.float32),
    )(x, W1, b1.reshape(1, D), W2, hist_t)


def _sc_hist(dst, n_nodes):
    (E,) = dst.shape
    EP = E // NW

    @functools.partial(
        pl.kernel,
        out_type=jax.ShapeDtypeStruct((NW * n_nodes,), jnp.float32),
        mesh=_mesh(),
        compiler_params=pltpu.CompilerParams(needs_layout_passes=False),
        scratch_types=[pltpu.VMEM((EP,), jnp.int32),
                       pltpu.VMEM((n_nodes,), jnp.float32)],
    )
    def k(dst_hbm, hist_hbm, didx, hist):
        wid = _wid()
        pltpu.sync_copy(dst_hbm.at[pl.ds(wid * EP, EP)], didx)

        def zero(i, _):
            hist[pl.ds(i * L, L)] = jnp.zeros((L,), jnp.float32)
            return 0
        lax.fori_loop(0, n_nodes // L, zero, 0)

        ones = jnp.ones((L,), jnp.float32)

        def body(i, _):
            idx = didx[pl.ds(i * L, L)]
            plsc.addupdate_scatter(hist, [idx], ones)
            return 0
        lax.fori_loop(0, EP // L, body, 0)
        pltpu.sync_copy(hist, hist_hbm.at[pl.ds(wid * n_nodes, n_nodes)])

    return k(dst)


def _tc_scale(x2, hist_t):
    N, D = x2.shape
    BN = 1000

    def body(x2_ref, h_ref, y_ref):
        deg = jnp.sum(h_ref[...], axis=1, keepdims=True) + 1.0
        y_ref[...] = x2_ref[...] * lax.rsqrt(deg)

    return pl.pallas_call(
        body,
        grid=(N // BN,),
        in_specs=[pl.BlockSpec((BN, D), lambda i: (i, 0)),
                  pl.BlockSpec((BN, NW), lambda i: (i, 0))],
        out_specs=pl.BlockSpec((BN, D), lambda i: (i, 0)),
        out_shape=jax.ShapeDtypeStruct((N, D), jnp.float32),
    )(x2, hist_t)


def _sc_scatter(y, src, dst):
    N, D = y.shape
    (E,) = src.shape
    EP = E // NW
    CH = EP // C4
    NPAD = -(-N // (NS * C4)) * NS * C4
    ZPT = NPAD // (NS * C4)
    RPT = NPAD // NS
    NB4 = 5

    @functools.partial(
        pl.kernel,
        out_type=jax.ShapeDtypeStruct((NC, NPAD, D), jnp.float32),
        mesh=_mesh(),
        compiler_params=pltpu.CompilerParams(needs_layout_passes=False),
        scratch_types=[pltpu.VMEM((EP,), jnp.int32),
                       pltpu.VMEM((EP,), jnp.int32),
                       pltpu.VMEM((NB4, C4, D), jnp.float32),
                       pltpu.VMEM_SHARED((NPAD, D), jnp.float32),
                       pltpu.SemaphoreType.DMA((NB4,)),
                       pltpu.SemaphoreType.DMA((NB4,))],
    )
    def k(y_hbm, src_hbm, dst_hbm, part_hbm, sidx, didx, rowbuf, acc, gsem,
          ssem):
        cid = lax.axis_index("c")
        sid = lax.axis_index("s")
        wid = sid * NC + cid

        pltpu.sync_copy(src_hbm.at[pl.ds(wid * EP, EP)], sidx)
        pltpu.sync_copy(dst_hbm.at[pl.ds(wid * EP, EP)], didx)

        def zrow(i, _):
            r = i // (D // L)
            c = i % (D // L)
            rowbuf[0, r, pl.ds(c * L, L)] = jnp.zeros((L,), jnp.float32)
            return 0
        lax.fori_loop(0, C4 * (D // L), zrow, 0)

        def zacc(z, _):
            pltpu.sync_copy(rowbuf.at[0],
                            acc.at[pl.ds((sid * ZPT + z) * C4, C4)])
            return 0
        lax.fori_loop(0, ZPT, zacc, 0)
        plsc.subcore_barrier()

        def fire(ck, b):
            pltpu.async_copy(y_hbm.at[sidx.at[pl.ds(ck * C4, C4)]],
                             rowbuf.at[b], gsem.at[b])

        def scat(ck, b):
            pltpu.async_copy(rowbuf.at[b],
                             acc.at[didx.at[pl.ds(ck * C4, C4)]],
                             ssem.at[b], add=True)
            pltpu.make_async_copy(rowbuf.at[b],
                                  acc.at[didx.at[pl.ds(ck * C4, C4)]],
                                  ssem.at[b]).wait()

        def drain(ck, b):
            pltpu.make_async_copy(y_hbm.at[sidx.at[pl.ds(ck * C4, C4)]],
                                  rowbuf.at[b], gsem.at[b]).wait()
            scat(ck, b)

        def prol(b, _):
            fire(b, b)
            return 0
        lax.fori_loop(0, NB4, prol, 0)

        def main(ck, _):
            b = lax.rem(ck, NB4)
            drain(ck, b)
            fire(ck + NB4, b)
            return 0
        lax.fori_loop(0, CH - NB4, main, 0)

        def epi(ck, _):
            drain(ck, lax.rem(ck, NB4))
            return 0
        lax.fori_loop(CH - NB4, CH, epi, 0)
        plsc.subcore_barrier()

        pltpu.sync_copy(acc.at[pl.ds(sid * RPT, RPT)],
                        part_hbm.at[cid, pl.ds(sid * RPT, RPT)])

    return k(y, src, dst)


def _tc_finish(parts, y, hist_t, b2):
    N, D = y.shape
    BN = 1000

    def body(p_ref, y_ref, h_ref, b2_ref, o_ref):
        deg = jnp.sum(h_ref[...], axis=1, keepdims=True) + 1.0
        s = p_ref[0] + p_ref[1] + y_ref[...]
        o_ref[...] = lax.rsqrt(deg) * s + b2_ref[...]

    return pl.pallas_call(
        body,
        grid=(N // BN,),
        in_specs=[pl.BlockSpec((NC, BN, D), lambda i: (0, i, 0)),
                  pl.BlockSpec((BN, D), lambda i: (i, 0)),
                  pl.BlockSpec((BN, NW), lambda i: (i, 0)),
                  pl.BlockSpec((1, D), lambda i: (0, 0))],
        out_specs=pl.BlockSpec((BN, D), lambda i: (i, 0)),
        out_shape=jax.ShapeDtypeStruct((N, D), jnp.float32),
    )(parts, y, hist_t, b2.reshape(1, D))


def _sc_logits(out, e0, e1):
    N, D = out.shape
    (E,) = e0.shape
    EP = E // NW
    CH = EP // C6

    @functools.partial(
        pl.kernel,
        out_type=jax.ShapeDtypeStruct((E,), jnp.float32),
        mesh=_mesh(),
        compiler_params=pltpu.CompilerParams(needs_layout_passes=False),
        scratch_types=[pltpu.VMEM((EP,), jnp.int32),
                       pltpu.VMEM((EP,), jnp.int32),
                       pltpu.VMEM((NB, C6, D), jnp.float32),
                       pltpu.VMEM((NB, C6, D), jnp.float32),
                       pltpu.VMEM((NB, C6), jnp.float32),
                       pltpu.SemaphoreType.DMA((NB,)),
                       pltpu.SemaphoreType.DMA((NB,)),
                       pltpu.SemaphoreType.DMA((NB,))],
    )
    def k(out_hbm, e0_hbm, e1_hbm, log_hbm, aidx, bidx, abuf, bbuf, res,
          sema, semb, semr):
        wid = _wid()
        pltpu.sync_copy(e0_hbm.at[pl.ds(wid * EP, EP)], aidx)
        pltpu.sync_copy(e1_hbm.at[pl.ds(wid * EP, EP)], bidx)

        lane = jnp.arange(L, dtype=jnp.int32)

        def fire(ck, b):
            pltpu.async_copy(out_hbm.at[aidx.at[pl.ds(ck * C6, C6)]],
                             abuf.at[b], sema.at[b])
            pltpu.async_copy(out_hbm.at[bidx.at[pl.ds(ck * C6, C6)]],
                             bbuf.at[b], semb.at[b])

        def rstore_wait(ck, b):
            pltpu.make_async_copy(res.at[b],
                                  log_hbm.at[pl.ds((wid * CH + ck) * C6, C6)],
                                  semr.at[b]).wait()

        def drain(ck, b):
            pltpu.make_async_copy(out_hbm.at[aidx.at[pl.ds(ck * C6, C6)]],
                                  abuf.at[b], sema.at[b]).wait()
            pltpu.make_async_copy(out_hbm.at[bidx.at[pl.ds(ck * C6, C6)]],
                                  bbuf.at[b], semb.at[b]).wait()

            def group(grp, _):
                def edge(t, acc_row):
                    e = grp * L + t
                    acc = abuf[b, e, pl.ds(0, L)] * bbuf[b, e, pl.ds(0, L)]
                    for j in range(1, D // L):
                        acc = acc + (abuf[b, e, pl.ds(j * L, L)] *
                                     bbuf[b, e, pl.ds(j * L, L)])
                    sv = jnp.full((L,), jnp.sum(acc), jnp.float32)
                    return jnp.where(lane == t, sv, acc_row)
                acc_row = lax.fori_loop(0, L, edge,
                                        jnp.zeros((L,), jnp.float32))
                res[b, pl.ds(grp * L, L)] = acc_row
                return 0
            lax.fori_loop(0, C6 // L, group, 0)
            pltpu.async_copy(res.at[b],
                             log_hbm.at[pl.ds((wid * CH + ck) * C6, C6)],
                             semr.at[b])

        def prol(b, _):
            fire(b, b)
            return 0
        lax.fori_loop(0, NB, prol, 0)

        def main(ck, _):
            b = lax.rem(ck, NB)
            pl.when(ck >= NB)(lambda: rstore_wait(ck - NB, b))
            drain(ck, b)
            fire(ck + NB, b)
            return 0
        lax.fori_loop(0, CH - NB, main, 0)

        def epi(ck, _):
            b = lax.rem(ck, NB)
            pl.when(ck >= NB)(lambda: rstore_wait(ck - NB, b))
            drain(ck, b)
            return 0
        lax.fori_loop(CH - NB, CH, epi, 0)

        def fdrain(i, _):
            ck = CH - NB + i
            rstore_wait(ck, lax.rem(ck, NB))
            return 0
        lax.fori_loop(0, NB, fdrain, 0)

    return k(out, e0, e1)


def kernel(x_input, edge_index_input, pos_edge_index_input, W1, b1, W2, b2):
    N, D = x_input.shape
    src = pos_edge_index_input[0]
    dst = pos_edge_index_input[1]
    e0 = edge_index_input[0]
    e1 = edge_index_input[1]

    hist = _sc_hist(dst, N)
    hist_t = hist.reshape(NW, N).T
    y = _tc_transform_scale(x_input, W1, b1, W2, hist_t)
    parts = _sc_scatter(y, src, dst)
    out = _tc_finish(parts, y, hist_t, b2)
    return _sc_logits(out, e0, e1)

# --- scband reference (transcript-rebuilt; emitter-appended) ---
"""Pipeline reference for scband-gnn-gcnconv-homogen-basic-12378095747343 (READ-ONLY COPY).

The authoritative reference and input builder live on the scoring server;
editing this copy changes nothing except your own understanding.
"""

import jax, jax.numpy as jnp
import numpy as np

N = 10000
E = 320000
D_IN = 128
D_OUT = 128


def setup_inputs(seed: int = 0) -> dict:
    key = jax.random.key(seed)
    ks = jax.random.split(key, 8)
    x_input = jax.random.normal(ks[0], (N, D_IN), dtype=jnp.float32)
    edge_index_input = jax.random.randint(ks[1], (2, E), 0, N, dtype=jnp.int32)
    pos_edge_index_input = jax.random.randint(ks[2], (2, E), 0, N, dtype=jnp.int32)
    # init_linear: torch.nn.Linear(D_IN, D_IN) -> weight [D_IN, D_IN], bias [D_IN]
    W1 = jax.random.normal(ks[3], (D_IN, D_IN), dtype=jnp.float32) * (1.0 / np.sqrt(D_IN))
    b1 = jax.random.normal(ks[4], (D_IN,), dtype=jnp.float32) * (1.0 / np.sqrt(D_IN))
    # GCNConv(D_IN, D_OUT): weight [D_OUT, D_IN], bias [D_OUT]
    W2 = jax.random.normal(ks[5], (D_OUT, D_IN), dtype=jnp.float32) * (1.0 / np.sqrt(D_IN))
    b2 = jnp.zeros((D_OUT,), dtype=jnp.float32)
    return {
        "x_input": x_input,
        "edge_index_input": edge_index_input,
        "pos_edge_index_input": pos_edge_index_input,
        "W1": W1,
        "b1": b1,
        "W2": W2,
        "b2": b2,
    }


def reference(x_input, edge_index_input, pos_edge_index_input, W1, b1, W2, b2):
    # init_linear
    x = x_input @ W1.T + b1
    # GCNConv: transform first, then propagate with symmetric normalization + self-loops
    x = x @ W2.T
    self_loops = jnp.arange(N, dtype=pos_edge_index_input.dtype)
    src = jnp.concatenate([pos_edge_index_input[0], self_loops])
    dst = jnp.concatenate([pos_edge_index_input[1], self_loops])
    ones = jnp.ones(src.shape[0], dtype=x.dtype)
    deg = jax.ops.segment_sum(ones, dst, num_segments=N)
    deg_inv_sqrt = jnp.where(deg > 0, jax.lax.rsqrt(jnp.maximum(deg, 1e-12)), 0.0)
    norm = deg_inv_sqrt[src] * deg_inv_sqrt[dst]
    messages = x[src] * norm[:, None]
    out = jax.ops.segment_sum(messages, dst, num_segments=N) + b2
    # edge score: dot product of endpoint embeddings
    logits = (out[edge_index_input[0]] * out[edge_index_input[1]]).sum(axis=-1)
    return logits

if __name__ == "__main__":
    import jax
    _d = setup_inputs()
    print(jax.jit(kernel)(*tuple(_d.values())))

</pallas_src>

<mosaic_0001>
#map = affine_map<(d0, d1) -> (0)>
module attributes {stable_mosaic.version = 14 : i64} {
  func.func @k(%arg0: i32, %arg1: i32, %arg2: memref<320000xi32, #tpu.memory_space<hbm>>, %arg3: memref<320000xf32, #tpu.memory_space<hbm>>, %arg4: memref<10000xi32, #tpu.memory_space<vmem>>, %arg5: memref<10000xf32, #tpu.memory_space<vmem>>) attributes {dimension_semantics = [#tpu.dimension_semantics<core_parallel>, #tpu.dimension_semantics<subcore_parallel>], iteration_bounds = array<i64: 2, 16>, scalar_prefetch = 0 : i64, scratch_operands = 2 : i64, tpu.core_type = #tpu.core_type<sc_vector_subcore>, window_params = [{transform_indices = #map}, {transform_indices = #map}]} {
    %mul3A = arith.constant 2 : i32
    %mul3A_0 = arith.muli %arg1, %mul3A : i32
    %add3A = arith.addi %mul3A_0, %arg0 : i32
    %mul3A_1 = arith.constant 10000 : i32
    %mul3A_2 = arith.muli %add3A, %mul3A_1 : i32
    "tpu.region"() ({
      %run_scoped3A = tpu.sem_alloc : memref<!tpu.dma_semaphore, #tpu.memory_space<semaphore_mem>>
      %dma_start3A = tpu.memref_slice %arg2[%mul3A_2] : memref<320000xi32, #tpu.memory_space<hbm>> -> memref<10000xi32, #tpu.memory_space<hbm>>
      %dma_start3A_19 = tpu.memref_slice %arg2[%mul3A_2] : memref<320000xi32, #tpu.memory_space<hbm>> -> memref<10000xi32, #tpu.memory_space<hbm>>
      tpu.enqueue_dma source(%dma_start3A_19 : memref<10000xi32, #tpu.memory_space<hbm>>) target(%arg4 : memref<10000xi32, #tpu.memory_space<vmem>>) target_semaphore(%run_scoped3A : memref<!tpu.dma_semaphore, #tpu.memory_space<semaphore_mem>>)
      %dma_wait3A = tpu.memref_slice %arg2[%mul3A_2] : memref<320000xi32, #tpu.memory_space<hbm>> -> memref<10000xi32, #tpu.memory_space<hbm>>
      %dma_wait3A_20 = tpu.memref_slice %arg2[%mul3A_2] : memref<320000xi32, #tpu.memory_space<hbm>> -> memref<10000xi32, #tpu.memory_space<hbm>>
      tpu.wait_dma2 semaphore(%run_scoped3A : memref<!tpu.dma_semaphore, #tpu.memory_space<semaphore_mem>>) src(%dma_wait3A_20 : memref<10000xi32, #tpu.memory_space<hbm>>) dst(%arg4 : memref<10000xi32, #tpu.memory_space<vmem>>)
      tpu.yield
    }) : () -> ()
    %scan3A = arith.constant 0 : i32
    %scan3A_3 = arith.constant 0 : i32
    %scan3A_4 = arith.constant 625 : i32
    %scan3A_5 = arith.addi %scan3A_3, %scan3A_4 : i32
    %scan3A_6 = arith.constant 1 : i32
    %scan3A_7 = scf.for %scan3A_19 = %scan3A_3 to %scan3A_5 step %scan3A_6 iter_args(%scan3A_20 = %scan3A) -> (i32)  : i32 {
      %broadcast_in_dim3A_21 = arith.constant 0.000000e+00 : f32
      %broadcast_in_dim3A_22 = vector.broadcast %broadcast_in_dim3A_21 : f32 to vector<16xf32>
      %mul3A_23 = arith.constant 16 : i32
      %mul3A_24 = arith.muli %scan3A_19, %mul3A_23 : i32
      %swap3A = arith.index_cast %mul3A_24 : i32 to index
      %swap3A_25 = tpu.vector_load %arg5[%swap3A] {strides = array<i32>} : memref<10000xf32, #tpu.memory_space<vmem>>, vector<16xf32>,
      tpu.vector_store %arg5[%swap3A], %broadcast_in_dim3A_22 {strides = array<i32>} : memref<10000xf32, #tpu.memory_space<vmem>>, vector<16xf32>,
      %scan3A_26 = arith.constant 0 : i32
      scf.yield %scan3A_26 : i32
    }
    %scan3A_8 = arith.constant 625 : i32
    %broadcast_in_dim3A = arith.constant 1.000000e+00 : f32
    %broadcast_in_dim3A_9 = vector.broadcast %broadcast_in_dim3A : f32 to vector<16xf32>
    %scan3A_10 = arith.constant 0 : i32
    %scan3A_11 = arith.constant 0 : i32
    %scan3A_12 = arith.constant 625 : i32
    %scan3A_13 = arith.addi %scan3A_11, %scan3A_12 : i32
    %scan3A_14 = arith.constant 1 : i32
    %scan3A_15 = scf.for %scan3A_19 = %scan3A_11 to %scan3A_13 step %scan3A_14 iter_args(%scan3A_20 = %scan3A_10) -> (i32)  : i32 {
      %mul3A_21 = arith.constant 16 : i32
      %mul3A_22 = arith.muli %scan3A_19, %mul3A_21 : i32
      %get3A = arith.index_cast %mul3A_22 : i32 to index
      %get3A_23 = tpu.vector_load %arg4[%get3A] {strides = array<i32>} : memref<10000xi32, #tpu.memory_space<vmem>>, vector<16xi32>,
      tpu.vector_store_idx %arg5[%get3A_23], %broadcast_in_dim3A_9 {add = true} : memref<10000xf32, #tpu.memory_space<vmem>>[vector<16xi32>], vector<16xf32>,
      %scan3A_24 = arith.constant 0 : i32
      scf.yield %scan3A_24 : i32
    }
    %scan3A_16 = arith.constant 625 : i32
    %mul3A_17 = arith.constant 10000 : i32
    %mul3A_18 = arith.muli %add3A, %mul3A_17 : i32
    "tpu.region"() ({
      %run_scoped3A = tpu.sem_alloc : memref<!tpu.dma_semaphore, #tpu.memory_space<semaphore_mem>>
      %dma_start3A = tpu.memref_slice %arg3[%mul3A_18] : memref<320000xf32, #tpu.memory_space<hbm>> -> memref<10000xf32, #tpu.memory_space<hbm>>
      %dma_start3A_19 = tpu.memref_slice %arg3[%mul3A_18] : memref<320000xf32, #tpu.memory_space<hbm>> -> memref<10000xf32, #tpu.memory_space<hbm>>
      tpu.enqueue_dma source(%arg5 : memref<10000xf32, #tpu.memory_space<vmem>>) target(%dma_start3A_19 : memref<10000xf32, #tpu.memory_space<hbm>>) target_semaphore(%run_scoped3A : memref<!tpu.dma_semaphore, #tpu.memory_space<semaphore_mem>>)
      %dma_wait3A = tpu.memref_slice %arg3[%mul3A_18] : memref<320000xf32, #tpu.memory_space<hbm>> -> memref<10000xf32, #tpu.memory_space<hbm>>
      %dma_wait3A_20 = tpu.memref_slice %arg3[%mul3A_18] : memref<320000xf32, #tpu.memory_space<hbm>> -> memref<10000xf32, #tpu.memory_space<hbm>>
      tpu.wait_dma2 semaphore(%run_scoped3A : memref<!tpu.dma_semaphore, #tpu.memory_space<semaphore_mem>>) src(%arg5 : memref<10000xf32, #tpu.memory_space<vmem>>) dst(%dma_wait3A_20 : memref<10000xf32, #tpu.memory_space<hbm>>)
      tpu.yield
    }) : () -> ()
    return
  }
}

#map = affine_map<(d0, d1) -> (0, 0)>
#map1 = affine_map<(d0, d1) -> (0)>
module attributes {stable_mosaic.version = 14 : i64} {
  func.func @k(%arg0: i32, %arg1: i32, %arg2: memref<10000x128xf32, #tpu.memory_space<hbm>>, %arg3: memref<320000xi32, #tpu.memory_space<hbm>>, %arg4: memref<320000xi32, #tpu.memory_space<hbm>>, %arg5: memref<320000xf32, #tpu.memory_space<hbm>>, %arg6: memref<10000xi32, #tpu.memory_space<vmem>>, %arg7: memref<10000xi32, #tpu.memory_space<vmem>>, %arg8: memref<5x80x128xf32, #tpu.memory_space<vmem>>, %arg9: memref<5x80x128xf32, #tpu.memory_space<vmem>>, %arg10: memref<5x80xf32, #tpu.memory_space<vmem>>, %arg11: memref<5x!tpu.dma_semaphore, #tpu.memory_space<semaphore_mem>>, %arg12: memref<5x!tpu.dma_semaphore, #tpu.memory_space<semaphore_mem>>, %arg13: memref<5x!tpu.dma_semaphore, #tpu.memory_space<semaphore_mem>>) attributes {dimension_semantics = [#tpu.dimension_semantics<core_parallel>, #tpu.dimension_semantics<subcore_parallel>], iteration_bounds = array<i64: 2, 16>, scalar_prefetch = 0 : i64, scratch_operands = 8 : i64, tpu.core_type = #tpu.core_type<sc_vector_subcore>, window_params = [{transform_indices = #map}, {transform_indices = #map1}, {transform_indices = #map1}, {transform_indices = #map1}]} {
    %mul3A = arith.constant 2 : i32
    %mul3A_0 = arith.muli %arg1, %mul3A : i32
    %add3A = arith.addi %mul3A_0, %arg0 : i32
    %mul3A_1 = arith.constant 10000 : i32
    %mul3A_2 = arith.muli %add3A, %mul3A_1 : i32
    "tpu.region"() ({
      %run_scoped3A = tpu.sem_alloc : memref<!tpu.dma_semaphore, #tpu.memory_space<semaphore_mem>>
      %dma_start3A = tpu.memref_slice %arg3[%mul3A_2] : memref<320000xi32, #tpu.memory_space<hbm>> -> memref<10000xi32, #tpu.memory_space<hbm>>
      %dma_start3A_32 = tpu.memref_slice %arg3[%mul3A_2] : memref<320000xi32, #tpu.memory_space<hbm>> -> memref<10000xi32, #tpu.memory_space<hbm>>
      tpu.enqueue_dma source(%dma_start3A_32 : memref<10000xi32, #tpu.memory_space<hbm>>) target(%arg6 : memref<10000xi32, #tpu.memory_space<vmem>>) target_semaphore(%run_scoped3A : memref<!tpu.dma_semaphore, #tpu.memory_space<semaphore_mem>>)
      %dma_wait3A = tpu.memref_slice %arg3[%mul3A_2] : memref<320000xi32, #tpu.memory_space<hbm>> -> memref<10000xi32, #tpu.memory_space<hbm>>
      %dma_wait3A_33 = tpu.memref_slice %arg3[%mul3A_2] : memref<320000xi32, #tpu.memory_space<hbm>> -> memref<10000xi32, #tpu.memory_space<hbm>>
      tpu.wait_dma2 semaphore(%run_scoped3A : memref<!tpu.dma_semaphore, #tpu.memory_space<semaphore_mem>>) src(%dma_wait3A_33 : memref<10000xi32, #tpu.memory_space<hbm>>) dst(%arg6 : memref<10000xi32, #tpu.memory_space<vmem>>)
      tpu.yield
    }) : () -> ()
    %mul3A_3 = arith.constant 10000 : i32
    %mul3A_4 = arith.muli %add3A, %mul3A_3 : i32
    "tpu.region"() ({
      %run_scoped3A = tpu.sem_alloc : memref<!tpu.dma_semaphore, #tpu.memory_space<semaphore_mem>>
      %dma_start3A = tpu.memref_slice %arg4[%mul3A_4] : memref<320000xi32, #tpu.memory_space<hbm>> -> memref<10000xi32, #tpu.memory_space<hbm>>
      %dma_start3A_32 = tpu.memref_slice %arg4[%mul3A_4] : memref<320000xi32, #tpu.memory_space<hbm>> -> memref<10000xi32, #tpu.memory_space<hbm>>
      tpu.enqueue_dma source(%dma_start3A_32 : memref<10000xi32, #tpu.memory_space<hbm>>) target(%arg7 : memref<10000xi32, #tpu.memory_space<vmem>>) target_semaphore(%run_scoped3A : memref<!tpu.dma_semaphore, #tpu.memory_space<semaphore_mem>>)
      %dma_wait3A = tpu.memref_slice %arg4[%mul3A_4] : memref<320000xi32, #tpu.memory_space<hbm>> -> memref<10000xi32, #tpu.memory_space<hbm>>
      %dma_wait3A_33 = tpu.memref_slice %arg4[%mul3A_4] : memref<320000xi32, #tpu.memory_space<hbm>> -> memref<10000xi32, #tpu.memory_space<hbm>>
      tpu.wait_dma2 semaphore(%run_scoped3A : memref<!tpu.dma_semaphore, #tpu.memory_space<semaphore_mem>>) src(%dma_wait3A_33 : memref<10000xi32, #tpu.memory_space<hbm>>) dst(%arg7 : memref<10000xi32, #tpu.memory_space<vmem>>)
      tpu.yield
    }) : () -> ()
    %iota3A = tpu.iota {dimensions = array<i32: 0>} : vector<16xi32>
    %scan3A = arith.constant 0 : i32
    %scan3A_5 = arith.constant 0 : i32
    %scan3A_6 = arith.constant 5 : i32
    %scan3A_7 = arith.addi %scan3A_5, %scan3A_6 : i32
    %scan3A_8 = arith.constant 1 : i32
    %scan3A_9 = scf.for %scan3A_32 = %scan3A_5 to %scan3A_7 step %scan3A_8 iter_args(%scan3A_33 = %scan3A) -> (i32)  : i32 {
      %mul3A_34 = arith.constant 80 : i32
      %mul3A_35 = arith.muli %scan3A_32, %mul3A_34 : i32
      %dma_start3A = arith.constant 0 : i32
      %dma_start3A_36 = arith.constant 0 : i32
      %dma_start3A_37 = tpu.memref_slice %arg8[%scan3A_32, %dma_start3A, %dma_start3A_36] : memref<5x80x128xf32, #tpu.memory_space<vmem>> -> memref<1x80x128xf32, #tpu.memory_space<vmem>>
      %dma_start3A_38 = tpu.memref_squeeze %dma_start3A_37 : memref<1x80x128xf32, #tpu.memory_space<vmem>> -> memref<80x128xf32, #tpu.memory_space<vmem>>
      %dma_start3A_39 = tpu.memref_slice %arg6[%mul3A_35] : memref<10000xi32, #tpu.memory_space<vmem>> -> memref<80xi32, #tpu.memory_space<vmem>>
      %dma_start3A_40 = arith.constant 0 : i32
      %dma_start3A_41 = arith.constant 0 : i32
      %dma_start3A_42 = tpu.memref_slice %arg2[%dma_start3A_40, %dma_start3A_41] : memref<10000x128xf32, #tpu.memory_space<hbm>> -> memref<10000x128xf32, #tpu.memory_space<hbm>>
      %dma_start3A_43 = tpu.memref_slice %arg11[%scan3A_32] : memref<5x!tpu.dma_semaphore, #tpu.memory_space<semaphore_mem>> -> memref<1x!tpu.dma_semaphore, #tpu.memory_space<semaphore_mem>>
      %dma_start3A_44 = tpu.memref_squeeze %dma_start3A_43 : memref<1x!tpu.dma_semaphore, #tpu.memory_space<semaphore_mem>> -> memref<!tpu.dma_semaphore, #tpu.memory_space<semaphore_mem>>
      tpu.enqueue_indirect_dma source(%dma_start3A_42 : memref<10000x128xf32, #tpu.memory_space<hbm>>) target(%dma_start3A_38 : memref<80x128xf32, #tpu.memory_space<vmem>>) offsets(%dma_start3A_39 : memref<80xi32, #tpu.memory_space<vmem>>) semaphore(%dma_start3A_44 : memref<!tpu.dma_semaphore, #tpu.memory_space<semaphore_mem>>)
      %mul3A_45 = arith.constant 80 : i32
      %mul3A_46 = arith.muli %scan3A_32, %mul3A_45 : i32
      %dma_start3A_47 = arith.constant 0 : i32
      %dma_start3A_48 = arith.constant 0 : i32
      %dma_start3A_49 = tpu.memref_slice %arg9[%scan3A_32, %dma_start3A_47, %dma_start3A_48] : memref<5x80x128xf32, #tpu.memory_space<vmem>> -> memref<1x80x128xf32, #tpu.memory_space<vmem>>
      %dma_start3A_50 = tpu.memref_squeeze %dma_start3A_49 : memref<1x80x128xf32, #tpu.memory_space<vmem>> -> memref<80x128xf32, #tpu.memory_space<vmem>>
      %dma_start3A_51 = tpu.memref_slice %arg7[%mul3A_46] : memref<10000xi32, #tpu.memory_space<vmem>> -> memref<80xi32, #tpu.memory_space<vmem>>
      %dma_start3A_52 = arith.constant 0 : i32
      %dma_start3A_53 = arith.constant 0 : i32
      %dma_start3A_54 = tpu.memref_slice %arg2[%dma_start3A_52, %dma_start3A_53] : memref<10000x128xf32, #tpu.memory_space<hbm>> -> memref<10000x128xf32, #tpu.memory_space<hbm>>
      %dma_start3A_55 = tpu.memref_slice %arg12[%scan3A_32] : memref<5x!tpu.dma_semaphore, #tpu.memory_space<semaphore_mem>> -> memref<1x!tpu.dma_semaphore, #tpu.memory_space<semaphore_mem>>
      %dma_start3A_56 = tpu.memref_squeeze %dma_start3A_55 : memref<1x!tpu.dma_semaphore, #tpu.memory_space<semaphore_mem>> -> memref<!tpu.dma_semaphore, #tpu.memory_space<semaphore_mem>>
      tpu.enqueue_indirect_dma source(%dma_start3A_54 : memref<10000x128xf32, #tpu.memory_space<hbm>>) target(%dma_start3A_50 : memref<80x128xf32, #tpu.memory_space<vmem>>) offsets(%dma_start3A_51 : memref<80xi32, #tpu.memory_space<vmem>>) semaphore(%dma_start3A_56 : memref<!tpu.dma_semaphore, #tpu.memory_space<semaphore_mem>>)
      %scan3A_57 = arith.constant 0 : i32
      scf.yield %scan3A_57 : i32
    }
    %scan3A_10 = arith.constant 5 : i32
    %scan3A_11 = arith.constant 0 : i32
    %scan3A_12 = arith.constant 0 : i32
    %scan3A_13 = arith.constant 120 : i32
    %scan3A_14 = arith.addi %scan3A_12, %scan3A_13 : i32
    %scan3A_15 = arith.constant 1 : i32
    %scan3A_16 = scf.for %scan3A_32 = %scan3A_12 to %scan3A_14 step %scan3A_15 iter_args(%scan3A_33 = %scan3A_11) -> (i32)  : i32 {
      %rem3A = arith.constant 5 : i32
      %rem3A_34 = arith.remsi %scan3A_32, %rem3A : i32
      %ge3A = arith.constant 5 : i32
      %ge3A_35 = arith.cmpi sge, %scan3A_32, %ge3A : i32
      %convert_element_type3A = arith.extui %ge3A_35 : i1 to i32
      %cond3A = arith.constant 0 : i32
      %cond3A_36 = arith.cmpi ne, %convert_element_type3A, %cond3A : i32
      scf.if %cond3A_36 {
        %sub3A = arith.constant 5 : i32
        %sub3A_108 = arith.subi %scan3A_32, %sub3A : i32
        %mul3A_109 = arith.constant 125 : i32
        %mul3A_110 = arith.muli %add3A, %mul3A_109 : i32
        %add3A_111 = arith.addi %mul3A_110, %sub3A_108 : i32
        %mul3A_112 = arith.constant 80 : i32
        %mul3A_113 = arith.muli %add3A_111, %mul3A_112 : i32
        %dma_wait3A_114 = arith.constant 0 : i32
        %dma_wait3A_115 = tpu.memref_slice %arg10[%rem3A_34, %dma_wait3A_114] : memref<5x80xf32, #tpu.memory_space<vmem>> -> memref<1x80xf32, #tpu.memory_space<vmem>>
        %dma_wait3A_116 = tpu.memref_squeeze %dma_wait3A_115 : memref<1x80xf32, #tpu.memory_space<vmem>> -> memref<80xf32, #tpu.memory_space<vmem>>
        %dma_wait3A_117 = tpu.memref_slice %arg5[%mul3A_113] : memref<320000xf32, #tpu.memory_space<hbm>> -> memref<80xf32, #tpu.memory_space<hbm>>
        %dma_wait3A_118 = tpu.memref_slice %arg13[%rem3A_34] : memref<5x!tpu.dma_semaphore, #tpu.memory_space<semaphore_mem>> -> memref<1x!tpu.dma_semaphore, #tpu.memory_space<semaphore_mem>>
        %dma_wait3A_119 = tpu.memref_squeeze %dma_wait3A_118 : memref<1x!tpu.dma_semaphore, #tpu.memory_space<semaphore_mem>> -> memref<!tpu.dma_semaphore, #tpu.memory_space<semaphore_mem>>
        %dma_wait3A_120 = tpu.memref_slice %arg5[%mul3A_113] : memref<320000xf32, #tpu.memory_space<hbm>> -> memref<80xf32, #tpu.memory_space<hbm>>
        %dma_wait3A_121 = arith.constant 0 : i32
        %dma_wait3A_122 = tpu.memref_slice %arg10[%rem3A_34, %dma_wait3A_121] : memref<5x80xf32, #tpu.memory_space<vmem>> -> memref<1x80xf32, #tpu.memory_space<vmem>>
        %dma_wait3A_123 = tpu.memref_squeeze %dma_wait3A_122 : memref<1x80xf32, #tpu.memory_space<vmem>> -> memref<80xf32, #tpu.memory_space<vmem>>
        tpu.wait_dma2 semaphore(%dma_wait3A_119 : memref<!tpu.dma_semaphore, #tpu.memory_space<semaphore_mem>>) src(%dma_wait3A_123 : memref<80xf32, #tpu.memory_space<vmem>>) dst(%dma_wait3A_120 : memref<80xf32, #tpu.memory_space<hbm>>)
      } else {
      }
      %mul3A_37 = arith.constant 80 : i32
      %mul3A_38 = arith.muli %scan3A_32, %mul3A_37 : i32
      %dma_wait3A = arith.constant 0 : i32
      %dma_wait3A_39 = arith.constant 0 : i32
      %dma_wait3A_40 = tpu.memref_slice %arg8[%rem3A_34, %dma_wait3A, %dma_wait3A_39] : memref<5x80x128xf32, #tpu.memory_space<vmem>> -> memref<1x80x128xf32, #tpu.memory_space<vmem>>
      %dma_wait3A_41 = tpu.memref_squeeze %dma_wait3A_40 : memref<1x80x128xf32, #tpu.memory_space<vmem>> -> memref<80x128xf32, #tpu.memory_space<vmem>>
      %dma_wait3A_42 = tpu.memref_slice %arg6[%mul3A_38] : memref<10000xi32, #tpu.memory_space<vmem>> -> memref<80xi32, #tpu.memory_space<vmem>>
      %dma_wait3A_43 = arith.constant 0 : i32
      %dma_wait3A_44 = arith.constant 0 : i32
      %dma_wait3A_45 = tpu.memref_slice %arg2[%dma_wait3A_43, %dma_wait3A_44] : memref<10000x128xf32, #tpu.memory_space<hbm>> -> memref<10000x128xf32, #tpu.memory_space<hbm>>
      %dma_wait3A_46 = tpu.memref_slice %arg11[%rem3A_34] : memref<5x!tpu.dma_semaphore, #tpu.memory_space<semaphore_mem>> -> memref<1x!tpu.dma_semaphore, #tpu.memory_space<semaphore_mem>>
      %dma_wait3A_47 = tpu.memref_squeeze %dma_wait3A_46 : memref<1x!tpu.dma_semaphore, #tpu.memory_space<semaphore_mem>> -> memref<!tpu.dma_semaphore, #tpu.memory_space<semaphore_mem>>
      tpu.wait_indirect_dma semaphore(%dma_wait3A_47 : memref<!tpu.dma_semaphore, #tpu.memory_space<semaphore_mem>>) src(%dma_wait3A_45 : memref<10000x128xf32, #tpu.memory_space<hbm>>) dst(%dma_wait3A_41 : memref<80x128xf32, #tpu.memory_space<vmem>>)
      %mul3A_48 = arith.constant 80 : i32
      %mul3A_49 = arith.muli %scan3A_32, %mul3A_48 : i32
      %dma_wait3A_50 = arith.constant 0 : i32
      %dma_wait3A_51 = arith.constant 0 : i32
      %dma_wait3A_52 = tpu.memref_slice %arg9[%rem3A_34, %dma_wait3A_50, %dma_wait3A_51] : memref<5x80x128xf32, #tpu.memory_space<vmem>> -> memref<1x80x128xf32, #tpu.memory_space<vmem>>
      %dma_wait3A_53 = tpu.memref_squeeze %dma_wait3A_52 : memref<1x80x128xf32, #tpu.memory_space<vmem>> -> memref<80x128xf32, #tpu.memory_space<vmem>>
      %dma_wait3A_54 = tpu.memref_slice %arg7[%mul3A_49] : memref<10000xi32, #tpu.memory_space<vmem>> -> memref<80xi32, #tpu.memory_space<vmem>>
      %dma_wait3A_55 = arith.constant 0 : i32
      %dma_wait3A_56 = arith.constant 0 : i32
      %dma_wait3A_57 = tpu.memref_slice %arg2[%dma_wait3A_55, %dma_wait3A_56] : memref<10000x128xf32, #tpu.memory_space<hbm>> -> memref<10000x128xf32, #tpu.memory_space<hbm>>
      %dma_wait3A_58 = tpu.memref_slice %arg12[%rem3A_34] : memref<5x!tpu.dma_semaphore, #tpu.memory_space<semaphore_mem>> -> memref<1x!tpu.dma_semaphore, #tpu.memory_space<semaphore_mem>>
      %dma_wait3A_59 = tpu.memref_squeeze %dma_wait3A_58 : memref<1x!tpu.dma_semaphore, #tpu.memory_space<semaphore_mem>> -> memref<!tpu.dma_semaphore, #tpu.memory_space<semaphore_mem>>
      tpu.wait_indirect_dma semaphore(%dma_wait3A_59 : memref<!tpu.dma_semaphore, #tpu.memory_space<semaphore_mem>>) src(%dma_wait3A_57 : memref<10000x128xf32, #tpu.memory_space<hbm>>) dst(%dma_wait3A_53 : memref<80x128xf32, #tpu.memory_space<vmem>>)
      %scan3A_60 = arith.constant 0 : i32
      %scan3A_61 = arith.constant 0 : i32
      %scan3A_62 = arith.constant 5 : i32
      %scan3A_63 = arith.addi %scan3A_61, %scan3A_62 : i32
      %scan3A_64 = arith.constant 1 : i32
      %scan3A_65 = scf.for %scan3A_108 = %scan3A_61 to %scan3A_63 step %scan3A_64 iter_args(%scan3A_109 = %scan3A_60) -> (i32)  : i32 {
        %broadcast_in_dim3A = arith.constant 0.000000e+00 : f32
        %broadcast_in_dim3A_110 = vector.broadcast %broadcast_in_dim3A : f32 to vector<16xf32>
        %scan3A_111 = arith.constant 0 : i32
        %scan3A_112 = arith.constant 16 : i32
        %scan3A_113 = arith.addi %scan3A_111, %scan3A_112 : i32
        %scan3A_114 = arith.constant 1 : i32
        %scan3A_115 = scf.for %scan3A_122 = %scan3A_111 to %scan3A_113 step %scan3A_114 iter_args(%scan3A_123 = %broadcast_in_dim3A_110) -> (vector<16xf32>)  : i32 {
          %mul3A_124 = arith.constant 16 : i32
          %mul3A_125 = arith.muli %scan3A_108, %mul3A_124 : i32
          %add3A_126 = arith.addi %mul3A_125, %scan3A_122 : i32
          %get3A = arith.index_cast %rem3A_34 : i32 to index
          %get3A_127 = arith.index_cast %add3A_126 : i32 to index
          %get3A_128 = arith.constant 0 : index
          %get3A_129 = tpu.vector_load %arg8[%get3A, %get3A_127, %get3A_128] {strides = array<i32>} : memref<5x80x128xf32, #tpu.memory_space<vmem>>, vector<16xf32>,
          %get3A_130 = arith.index_cast %rem3A_34 : i32 to index
          %get3A_131 = arith.index_cast %add3A_126 : i32 to index
          %get3A_132 = arith.constant 0 : index
          %get3A_133 = tpu.vector_load %arg9[%get3A_130, %get3A_131, %get3A_132] {strides = array<i32>} : memref<5x80x128xf32, #tpu.memory_space<vmem>>, vector<16xf32>,
          %mul3A_134 = arith.mulf %get3A_129, %get3A_133 : vector<16xf32>
          %get3A_135 = arith.index_cast %rem3A_34 : i32 to index
          %get3A_136 = arith.index_cast %add3A_126 : i32 to index
          %get3A_137 = arith.constant 16 : index
          %get3A_138 = tpu.vector_load %arg8[%get3A_135, %get3A_136, %get3A_137] {strides = array<i32>} : memref<5x80x128xf32, #tpu.memory_space<vmem>>, vector<16xf32>,
          %get3A_139 = arith.index_cast %rem3A_34 : i32 to index
          %get3A_140 = arith.index_cast %add3A_126 : i32 to index
          %get3A_141 = arith.constant 16 : index
          %get3A_142 = tpu.vector_load %arg9[%get3A_139, %get3A_140, %get3A_141] {strides = array<i32>} : memref<5x80x128xf32, #tpu.memory_space<vmem>>, vector<16xf32>,
          %mul3A_143 = arith.mulf %get3A_138, %get3A_142 : vector<16xf32>
          %add3A_144 = arith.addf %mul3A_134, %mul3A_143 : vector<16xf32>
          %get3A_145 = arith.index_cast %rem3A_34 : i32 to index
          %get3A_146 = arith.index_cast %add3A_126 : i32 to index
          %get3A_147 = arith.constant 32 : index
          %get3A_148 = tpu.vector_load %arg8[%get3A_145, %get3A_146, %get3A_147] {strides = array<i32>} : memref<5x80x128xf32, #tpu.memory_space<vmem>>, vector<16xf32>,
          %get3A_149 = arith.index_cast %rem3A_34 : i32 to index
          %get3A_150 = arith.index_cast %add3A_126 : i32 to index
          %get3A_151 = arith.constant 32 : index
          %get3A_152 = tpu.vector_load %arg9[%get3A_149, %get3A_150, %get3A_151] {strides = array<i32>} : memref<5x80x128xf32, #tpu.memory_space<vmem>>, vector<16xf32>,
          %mul3A_153 = arith.mulf %get3A_148, %get3A_152 : vector<16xf32>
          %add3A_154 = arith.addf %add3A_144, %mul3A_153 : vector<16xf32>
          %get3A_155 = arith.index_cast %rem3A_34 : i32 to index
          %get3A_156 = arith.index_cast %add3A_126 : i32 to index
          %get3A_157 = arith.constant 48 : index
          %get3A_158 = tpu.vector_load %arg8[%get3A_155, %get3A_156, %get3A_157] {strides = array<i32>} : memref<5x80x128xf32, #tpu.memory_space<vmem>>, vector<16xf32>,
          %get3A_159 = arith.index_cast %rem3A_34 : i32 to index
          %get3A_160 = arith.index_cast %add3A_126 : i32 to index
          %get3A_161 = arith.constant 48 : index
          %get3A_162 = tpu.vector_load %arg9[%get3A_159, %get3A_160, %get3A_161] {strides = array<i32>} : memref<5x80x128xf32, #tpu.memory_space<vmem>>, vector<16xf32>,
          %mul3A_163 = arith.mulf %get3A_158, %get3A_162 : vector<16xf32>
          %add3A_164 = arith.addf %add3A_154, %mul3A_163 : vector<16xf32>
          %get3A_165 = arith.index_cast %rem3A_34 : i32 to index
          %get3A_166 = arith.index_cast %add3A_126 : i32 to index
          %get3A_167 = arith.constant 64 : index
          %get3A_168 = tpu.vector_load %arg8[%get3A_165, %get3A_166, %get3A_167] {strides = array<i32>} : memref<5x80x128xf32, #tpu.memory_space<vmem>>, vector<16xf32>,
          %get3A_169 = arith.index_cast %rem3A_34 : i32 to index
          %get3A_170 = arith.index_cast %add3A_126 : i32 to index
          %get3A_171 = arith.constant 64 : index
          %get3A_172 = tpu.vector_load %arg9[%get3A_169, %get3A_170, %get3A_171] {strides = array<i32>} : memref<5x80x128xf32, #tpu.memory_space<vmem>>, vector<16xf32>,
          %mul3A_173 = arith.mulf %get3A_168, %get3A_172 : vector<16xf32>
          %add3A_174 = arith.addf %add3A_164, %mul3A_173 : vector<16xf32>
          %get3A_175 = arith.index_cast %rem3A_34 : i32 to index
          %get3A_176 = arith.index_cast %add3A_126 : i32 to index
          %get3A_177 = arith.constant 80 : index
          %get3A_178 = tpu.vector_load %arg8[%get3A_175, %get3A_176, %get3A_177] {strides = array<i32>} : memref<5x80x128xf32, #tpu.memory_space<vmem>>, vector<16xf32>,
          %get3A_179 = arith.index_cast %rem3A_34 : i32 to index
          %get3A_180 = arith.index_cast %add3A_126 : i32 to index
          %get3A_181 = arith.constant 80 : index
          %get3A_182 = tpu.vector_load %arg9[%get3A_179, %get3A_180, %get3A_181] {strides = array<i32>} : memref<5x80x128xf32, #tpu.memory_space<vmem>>, vector<16xf32>,
          %mul3A_183 = arith.mulf %get3A_178, %get3A_182 : vector<16xf32>
          %add3A_184 = arith.addf %add3A_174, %mul3A_183 : vector<16xf32>
          %get3A_185 = arith.index_cast %rem3A_34 : i32 to index
          %get3A_186 = arith.index_cast %add3A_126 : i32 to index
          %get3A_187 = arith.constant 96 : index
          %get3A_188 = tpu.vector_load %arg8[%get3A_185, %get3A_186, %get3A_187] {strides = array<i32>} : memref<5x80x128xf32, #tpu.memory_space<vmem>>, vector<16xf32>,
          %get3A_189 = arith.index_cast %rem3A_34 : i32 to index
          %get3A_190 = arith.index_cast %add3A_126 : i32 to index
          %get3A_191 = arith.constant 96 : index
          %get3A_192 = tpu.vector_load %arg9[%get3A_189, %get3A_190, %get3A_191] {strides = array<i32>} : memref<5x80x128xf32, #tpu.memory_space<vmem>>, vector<16xf32>,
          %mul3A_193 = arith.mulf %get3A_188, %get3A_192 : vector<16xf32>
          %add3A_194 = arith.addf %add3A_184, %mul3A_193 : vector<16xf32>
          %get3A_195 = arith.index_cast %rem3A_34 : i32 to index
          %get3A_196 = arith.index_cast %add3A_126 : i32 to index
          %get3A_197 = arith.constant 112 : index
          %get3A_198 = tpu.vector_load %arg8[%get3A_195, %get3A_196, %get3A_197] {strides = array<i32>} : memref<5x80x128xf32, #tpu.memory_space<vmem>>, vector<16xf32>,
          %get3A_199 = arith.index_cast %rem3A_34 : i32 to index
          %get3A_200 = arith.index_cast %add3A_126 : i32 to index
          %get3A_201 = arith.constant 112 : index
          %get3A_202 = tpu.vector_load %arg9[%get3A_199, %get3A_200, %get3A_201] {strides = array<i32>} : memref<5x80x128xf32, #tpu.memory_space<vmem>>, vector<16xf32>,
          %mul3A_203 = arith.mulf %get3A_198, %get3A_202 : vector<16xf32>
          %add3A_204 = arith.addf %add3A_194, %mul3A_203 : vector<16xf32>
          %reduce_sum3A = arith.constant true
          %reduce_sum3A_205 = vector.broadcast %reduce_sum3A : i1 to vector<16xi1>
          %reduce_sum3A_206 = tpu.scan <sum>, %add3A_204 masked %reduce_sum3A_205 : vector<16xf32>, vector<16xi1> -> vector<16xf32>
          %reduce_sum3A_207 = vector.extract %reduce_sum3A_206[15] : f32 from vector<16xf32>
          %broadcast_in_dim3A_208 = vector.broadcast %reduce_sum3A_207 : f32 to vector<16xf32>
          %eq3A = vector.broadcast %scan3A_122 : i32 to vector<16xi32>
          %eq3A_209 = arith.cmpi eq, %iota3A, %eq3A : vector<16xi32>
          %select_n3A = arith.select %eq3A_209, %broadcast_in_dim3A_208, %scan3A_123 : vector<16xi1>, vector<16xf32>
          scf.yield %select_n3A : vector<16xf32>
        }
        %scan3A_116 = arith.constant 16 : i32
        %mul3A_117 = arith.constant 16 : i32
        %mul3A_118 = arith.muli %scan3A_108, %mul3A_117 : i32
        %swap3A = arith.index_cast %rem3A_34 : i32 to index
        %swap3A_119 = arith.index_cast %mul3A_118 : i32 to index
        %swap3A_120 = tpu.vector_load %arg10[%swap3A, %swap3A_119] {strides = array<i32>} : memref<5x80xf32, #tpu.memory_space<vmem>>, vector<16xf32>,
        tpu.vector_store %arg10[%swap3A, %swap3A_119], %scan3A_115 {strides = array<i32>} : memref<5x80xf32, #tpu.memory_space<vmem>>, vector<16xf32>,
        %scan3A_121 = arith.constant 0 : i32
        scf.yield %scan3A_121 : i32
      }
      %scan3A_66 = arith.constant 5 : i32
      %mul3A_67 = arith.constant 125 : i32
      %mul3A_68 = arith.muli %add3A, %mul3A_67 : i32
      %add3A_69 = arith.addi %mul3A_68, %scan3A_32 : i32
      %mul3A_70 = arith.constant 80 : i32
      %mul3A_71 = arith.muli %add3A_69, %mul3A_70 : i32
      %dma_start3A = arith.constant 0 : i32
      %dma_start3A_72 = tpu.memref_slice %arg10[%rem3A_34, %dma_start3A] : memref<5x80xf32, #tpu.memory_space<vmem>> -> memref<1x80xf32, #tpu.memory_space<vmem>>
      %dma_start3A_73 = tpu.memref_squeeze %dma_start3A_72 : memref<1x80xf32, #tpu.memory_space<vmem>> -> memref<80xf32, #tpu.memory_space<vmem>>
      %dma_start3A_74 = tpu.memref_slice %arg5[%mul3A_71] : memref<320000xf32, #tpu.memory_space<hbm>> -> memref<80xf32, #tpu.memory_space<hbm>>
      %dma_start3A_75 = tpu.memref_slice %arg13[%rem3A_34] : memref<5x!tpu.dma_semaphore, #tpu.memory_space<semaphore_mem>> -> memref<1x!tpu.dma_semaphore, #tpu.memory_space<semaphore_mem>>
      %dma_start3A_76 = tpu.memref_squeeze %dma_start3A_75 : memref<1x!tpu.dma_semaphore, #tpu.memory_space<semaphore_mem>> -> memref<!tpu.dma_semaphore, #tpu.memory_space<semaphore_mem>>
      %dma_start3A_77 = tpu.memref_slice %arg5[%mul3A_71] : memref<320000xf32, #tpu.memory_space<hbm>> -> memref<80xf32, #tpu.memory_space<hbm>>
      %dma_start3A_78 = arith.constant 0 : i32
      %dma_start3A_79 = tpu.memref_slice %arg10[%rem3A_34, %dma_start3A_78] : memref<5x80xf32, #tpu.memory_space<vmem>> -> memref<1x80xf32, #tpu.memory_space<vmem>>
      %dma_start3A_80 = tpu.memref_squeeze %dma_start3A_79 : memref<1x80xf32, #tpu.memory_space<vmem>> -> memref<80xf32, #tpu.memory_space<vmem>>
      tpu.enqueue_dma source(%dma_start3A_80 : memref<80xf32, #tpu.memory_space<vmem>>) target(%dma_start3A_77 : memref<80xf32, #tpu.memory_space<hbm>>) target_semaphore(%dma_start3A_76 : memref<!tpu.dma_semaphore, #tpu.memory_space<semaphore_mem>>)
      %add3A_81 = arith.constant 5 : i32
      %add3A_82 = arith.addi %scan3A_32, %add3A_81 : i32
      %mul3A_83 = arith.constant 80 : i32
      %mul3A_84 = arith.muli %add3A_82, %mul3A_83 : i32
      %dma_start3A_85 = arith.constant 0 : i32
      %dma_start3A_86 = arith.constant 0 : i32
      %dma_start3A_87 = tpu.memref_slice %arg8[%rem3A_34, %dma_start3A_85, %dma_start3A_86] : memref<5x80x128xf32, #tpu.memory_space<vmem>> -> memref<1x80x128xf32, #tpu.memory_space<vmem>>
      %dma_start3A_88 = tpu.memref_squeeze %dma_start3A_87 : memref<1x80x128xf32, #tpu.memory_space<vmem>> -> memref<80x128xf32, #tpu.memory_space<vmem>>
      %dma_start3A_89 = tpu.memref_slice %arg6[%mul3A_84] : memref<10000xi32, #tpu.memory_space<vmem>> -> memref<80xi32, #tpu.memory_space<vmem>>
      %dma_start3A_90 = arith.constant 0 : i32
      %dma_start3A_91 = arith.constant 0 : i32
      %dma_start3A_92 = tpu.memref_slice %arg2[%dma_start3A_90, %dma_start3A_91] : memref<10000x128xf32, #tpu.memory_space<hbm>> -> memref<10000x128xf32, #tpu.memory_space<hbm>>
      %dma_start3A_93 = tpu.memref_slice %arg11[%rem3A_34] : memref<5x!tpu.dma_semaphore, #tpu.memory_space<semaphore_mem>> -> memref<1x!tpu.dma_semaphore, #tpu.memory_space<semaphore_mem>>
      %dma_start3A_94 = tpu.memref_squeeze %dma_start3A_93 : memref<1x!tpu.dma_semaphore, #tpu.memory_space<semaphore_mem>> -> memref<!tpu.dma_semaphore, #tpu.memory_space<semaphore_mem>>
      tpu.enqueue_indirect_dma source(%dma_start3A_92 : memref<10000x128xf32, #tpu.memory_space<hbm>>) target(%dma_start3A_88 : memref<80x128xf32, #tpu.memory_space<vmem>>) offsets(%dma_start3A_89 : memref<80xi32, #tpu.memory_space<vmem>>) semaphore(%dma_start3A_94 : memref<!tpu.dma_semaphore, #tpu.memory_space<semaphore_mem>>)
      %mul3A_95 = arith.constant 80 : i32
      %mul3A_96 = arith.muli %add3A_82, %mul3A_95 : i32
      %dma_start3A_97 = arith.constant 0 : i32
      %dma_start3A_98 = arith.constant 0 : i32
      %dma_start3A_99 = tpu.memref_slice %arg9[%rem3A_34, %dma_start3A_97, %dma_start3A_98] : memref<5x80x128xf32, #tpu.memory_space<vmem>> -> memref<1x80x128xf32, #tpu.memory_space<vmem>>
      %dma_start3A_100 = tpu.memref_squeeze %dma_start3A_99 : memref<1x80x128xf32, #tpu.memory_space<vmem>> -> memref<80x128xf32, #tpu.memory_space<vmem>>
      %dma_start3A_101 = tpu.memref_slice %arg7[%mul3A_96] : memref<10000xi32, #tpu.memory_space<vmem>> -> memref<80xi32, #tpu.memory_space<vmem>>
      %dma_start3A_102 = arith.constant 0 : i32
      %dma_start3A_103 = arith.constant 0 : i32
      %dma_start3A_104 = tpu.memref_slice %arg2[%dma_start3A_102, %dma_start3A_103] : memref<10000x128xf32, #tpu.memory_space<hbm>> -> memref<10000x128xf32, #tpu.memory_space<hbm>>
      %dma_start3A_105 = tpu.memref_slice %arg12[%rem3A_34] : memref<5x!tpu.dma_semaphore, #tpu.memory_space<semaphore_mem>> -> memref<1x!tpu.dma_semaphore, #tpu.memory_space<semaphore_mem>>
      %dma_start3A_106 = tpu.memref_squeeze %dma_start3A_105 : memref<1x!tpu.dma_semaphore, #tpu.memory_space<semaphore_mem>> -> memref<!tpu.dma_semaphore, #tpu.memory_space<semaphore_mem>>
      tpu.enqueue_indirect_dma source(%dma_start3A_104 : memref<10000x128xf32, #tpu.memory_space<hbm>>) target(%dma_start3A_100 : memref<80x128xf32, #tpu.memory_space<vmem>>) offsets(%dma_start3A_101 : memref<80xi32, #tpu.memory_space<vmem>>) semaphore(%dma_start3A_106 : memref<!tpu.dma_semaphore, #tpu.memory_space<semaphore_mem>>)
      %scan3A_107 = arith.constant 0 : i32
      scf.yield %scan3A_107 : i32
    }
    %scan3A_17 = arith.constant 120 : i32
    %scan3A_18 = arith.constant 0 : i32
    %scan3A_19 = arith.constant 120 : i32
    %scan3A_20 = arith.constant 5 : i32
    %scan3A_21 = arith.addi %scan3A_19, %scan3A_20 : i32
    %scan3A_22 = arith.constant 1 : i32
    %scan3A_23 = scf.for %scan3A_32 = %scan3A_19 to %scan3A_21 step %scan3A_22 iter_args(%scan3A_33 = %scan3A_18) -> (i32)  : i32 {
      %rem3A = arith.constant 5 : i32
      %rem3A_34 = arith.remsi %scan3A_32, %rem3A : i32
      %ge3A = arith.constant 5 : i32
      %ge3A_35 = arith.cmpi sge, %scan3A_32, %ge3A : i32
      %convert_element_type3A = arith.extui %ge3A_35 : i1 to i32
      %cond3A = arith.constant 0 : i32
      %cond3A_36 = arith.cmpi ne, %convert_element_type3A, %cond3A : i32
      scf.if %cond3A_36 {
        %sub3A = arith.constant 5 : i32
        %sub3A_82 = arith.subi %scan3A_32, %sub3A : i32
        %mul3A_83 = arith.constant 125 : i32
        %mul3A_84 = arith.muli %add3A, %mul3A_83 : i32
        %add3A_85 = arith.addi %mul3A_84, %sub3A_82 : i32
        %mul3A_86 = arith.constant 80 : i32
        %mul3A_87 = arith.muli %add3A_85, %mul3A_86 : i32
        %dma_wait3A_88 = arith.constant 0 : i32
        %dma_wait3A_89 = tpu.memref_slice %arg10[%rem3A_34, %dma_wait3A_88] : memref<5x80xf32, #tpu.memory_space<vmem>> -> memref<1x80xf32, #tpu.memory_space<vmem>>
        %dma_wait3A_90 = tpu.memref_squeeze %dma_wait3A_89 : memref<1x80xf32, #tpu.memory_space<vmem>> -> memref<80xf32, #tpu.memory_space<vmem>>
        %dma_wait3A_91 = tpu.memref_slice %arg5[%mul3A_87] : memref<320000xf32, #tpu.memory_space<hbm>> -> memref<80xf32, #tpu.memory_space<hbm>>
        %dma_wait3A_92 = tpu.memref_slice %arg13[%rem3A_34] : memref<5x!tpu.dma_semaphore, #tpu.memory_space<semaphore_mem>> -> memref<1x!tpu.dma_semaphore, #tpu.memory_space<semaphore_mem>>
        %dma_wait3A_93 = tpu.memref_squeeze %dma_wait3A_92 : memref<1x!tpu.dma_semaphore, #tpu.memory_space<semaphore_mem>> -> memref<!tpu.dma_semaphore, #tpu.memory_space<semaphore_mem>>
        %dma_wait3A_94 = tpu.memref_slice %arg5[%mul3A_87] : memref<320000xf32, #tpu.memory_space<hbm>> -> memref<80xf32, #tpu.memory_space<hbm>>
        %dma_wait3A_95 = arith.constant 0 : i32
        %dma_wait3A_96 = tpu.memref_slice %arg10[%rem3A_34, %dma_wait3A_95] : memref<5x80xf32, #tpu.memory_space<vmem>> -> memref<1x80xf32, #tpu.memory_space<vmem>>
        %dma_wait3A_97 = tpu.memref_squeeze %dma_wait3A_96 : memref<1x80xf32, #tpu.memory_space<vmem>> -> memref<80xf32, #tpu.memory_space<vmem>>
        tpu.wait_dma2 semaphore(%dma_wait3A_93 : memref<!tpu.dma_semaphore, #tpu.memory_space<semaphore_mem>>) src(%dma_wait3A_97 : memref<80xf32, #tpu.memory_space<vmem>>) dst(%dma_wait3A_94 : memref<80xf32, #tpu.memory_space<hbm>>)
      } else {
      }
      %mul3A_37 = arith.constant 80 : i32
      %mul3A_38 = arith.muli %scan3A_32, %mul3A_37 : i32
      %dma_wait3A = arith.constant 0 : i32
      %dma_wait3A_39 = arith.constant 0 : i32
      %dma_wait3A_40 = tpu.memref_slice %arg8[%rem3A_34, %dma_wait3A, %dma_wait3A_39] : memref<5x80x128xf32, #tpu.memory_space<vmem>> -> memref<1x80x128xf32, #tpu.memory_space<vmem>>
      %dma_wait3A_41 = tpu.memref_squeeze %dma_wait3A_40 : memref<1x80x128xf32, #tpu.memory_space<vmem>> -> memref<80x128xf32, #tpu.memory_space<vmem>>
      %dma_wait3A_42 = tpu.memref_slice %arg6[%mul3A_38] : memref<10000xi32, #tpu.memory_space<vmem>> -> memref<80xi32, #tpu.memory_space<vmem>>
      %dma_wait3A_43 = arith.constant 0 : i32
      %dma_wait3A_44 = arith.constant 0 : i32
      %dma_wait3A_45 = tpu.memref_slice %arg2[%dma_wait3A_43, %dma_wait3A_44] : memref<10000x128xf32, #tpu.memory_space<hbm>> -> memref<10000x128xf32, #tpu.memory_space<hbm>>
      %dma_wait3A_46 = tpu.memref_slice %arg11[%rem3A_34] : memref<5x!tpu.dma_semaphore, #tpu.memory_space<semaphore_mem>> -> memref<1x!tpu.dma_semaphore, #tpu.memory_space<semaphore_mem>>
      %dma_wait3A_47 = tpu.memref_squeeze %dma_wait3A_46 : memref<1x!tpu.dma_semaphore, #tpu.memory_space<semaphore_mem>> -> memref<!tpu.dma_semaphore, #tpu.memory_space<semaphore_mem>>
      tpu.wait_indirect_dma semaphore(%dma_wait3A_47 : memref<!tpu.dma_semaphore, #tpu.memory_space<semaphore_mem>>) src(%dma_wait3A_45 : memref<10000x128xf32, #tpu.memory_space<hbm>>) dst(%dma_wait3A_41 : memref<80x128xf32, #tpu.memory_space<vmem>>)
      %mul3A_48 = arith.constant 80 : i32
      %mul3A_49 = arith.muli %scan3A_32, %mul3A_48 : i32
      %dma_wait3A_50 = arith.constant 0 : i32
      %dma_wait3A_51 = arith.constant 0 : i32
      %dma_wait3A_52 = tpu.memref_slice %arg9[%rem3A_34, %dma_wait3A_50, %dma_wait3A_51] : memref<5x80x128xf32, #tpu.memory_space<vmem>> -> memref<1x80x128xf32, #tpu.memory_space<vmem>>
      %dma_wait3A_53 = tpu.memref_squeeze %dma_wait3A_52 : memref<1x80x128xf32, #tpu.memory_space<vmem>> -> memref<80x128xf32, #tpu.memory_space<vmem>>
      %dma_wait3A_54 = tpu.memref_slice %arg7[%mul3A_49] : memref<10000xi32, #tpu.memory_space<vmem>> -> memref<80xi32, #tpu.memory_space<vmem>>
      %dma_wait3A_55 = arith.constant 0 : i32
      %dma_wait3A_56 = arith.constant 0 : i32
      %dma_wait3A_57 = tpu.memref_slice %arg2[%dma_wait3A_55, %dma_wait3A_56] : memref<10000x128xf32, #tpu.memory_space<hbm>> -> memref<10000x128xf32, #tpu.memory_space<hbm>>
      %dma_wait3A_58 = tpu.memref_slice %arg12[%rem3A_34] : memref<5x!tpu.dma_semaphore, #tpu.memory_space<semaphore_mem>> -> memref<1x!tpu.dma_semaphore, #tpu.memory_space<semaphore_mem>>
      %dma_wait3A_59 = tpu.memref_squeeze %dma_wait3A_58 : memref<1x!tpu.dma_semaphore, #tpu.memory_space<semaphore_mem>> -> memref<!tpu.dma_semaphore, #tpu.memory_space<semaphore_mem>>
      tpu.wait_indirect_dma semaphore(%dma_wait3A_59 : memref<!tpu.dma_semaphore, #tpu.memory_space<semaphore_mem>>) src(%dma_wait3A_57 : memref<10000x128xf32, #tpu.memory_space<hbm>>) dst(%dma_wait3A_53 : memref<80x128xf32, #tpu.memory_space<vmem>>)
      %scan3A_60 = arith.constant 0 : i32
      %scan3A_61 = arith.constant 0 : i32
      %scan3A_62 = arith.constant 5 : i32
      %scan3A_63 = arith.addi %scan3A_61, %scan3A_62 : i32
      %scan3A_64 = arith.constant 1 : i32
      %scan3A_65 = scf.for %scan3A_82 = %scan3A_61 to %scan3A_63 step %scan3A_64 iter_args(%scan3A_83 = %scan3A_60) -> (i32)  : i32 {
        %broadcast_in_dim3A = arith.constant 0.000000e+00 : f32
        %broadcast_in_dim3A_84 = vector.broadcast %broadcast_in_dim3A : f32 to vector<16xf32>
        %scan3A_85 = arith.constant 0 : i32
        %scan3A_86 = arith.constant 16 : i32
        %scan3A_87 = arith.addi %scan3A_85, %scan3A_86 : i32
        %scan3A_88 = arith.constant 1 : i32
        %scan3A_89 = scf.for %scan3A_96 = %scan3A_85 to %scan3A_87 step %scan3A_88 iter_args(%scan3A_97 = %broadcast_in_dim3A_84) -> (vector<16xf32>)  : i32 {
          %mul3A_98 = arith.constant 16 : i32
          %mul3A_99 = arith.muli %scan3A_82, %mul3A_98 : i32
          %add3A_100 = arith.addi %mul3A_99, %scan3A_96 : i32
          %get3A = arith.index_cast %rem3A_34 : i32 to index
          %get3A_101 = arith.index_cast %add3A_100 : i32 to index
          %get3A_102 = arith.constant 0 : index
          %get3A_103 = tpu.vector_load %arg8[%get3A, %get3A_101, %get3A_102] {strides = array<i32>} : memref<5x80x128xf32, #tpu.memory_space<vmem>>, vector<16xf32>,
          %get3A_104 = arith.index_cast %rem3A_34 : i32 to index
          %get3A_105 = arith.index_cast %add3A_100 : i32 to index
          %get3A_106 = arith.constant 0 : index
          %get3A_107 = tpu.vector_load %arg9[%get3A_104, %get3A_105, %get3A_106] {strides = array<i32>} : memref<5x80x128xf32, #tpu.memory_space<vmem>>, vector<16xf32>,
          %mul3A_108 = arith.mulf %get3A_103, %get3A_107 : vector<16xf32>
          %get3A_109 = arith.index_cast %rem3A_34 : i32 to index
          %get3A_110 = arith.index_cast %add3A_100 : i32 to index
          %get3A_111 = arith.constant 16 : index
          %get3A_112 = tpu.vector_load %arg8[%get3A_109, %get3A_110, %get3A_111] {strides = array<i32>} : memref<5x80x128xf32, #tpu.memory_space<vmem>>, vector<16xf32>,
          %get3A_113 = arith.index_cast %rem3A_34 : i32 to index
          %get3A_114 = arith.index_cast %add3A_100 : i32 to index
          %get3A_115 = arith.constant 16 : index
          %get3A_116 = tpu.vector_load %arg9[%get3A_113, %get3A_114, %get3A_115] {strides = array<i32>} : memref<5x80x128xf32, #tpu.memory_space<vmem>>, vector<16xf32>,
          %mul3A_117 = arith.mulf %get3A_112, %get3A_116 : vector<16xf32>
          %add3A_118 = arith.addf %mul3A_108, %mul3A_117 : vector<16xf32>
          %get3A_119 = arith.index_cast %rem3A_34 : i32 to index
          %get3A_120 = arith.index_cast %add3A_100 : i32 to index
          %get3A_121 = arith.constant 32 : index
          %get3A_122 = tpu.vector_load %arg8[%get3A_119, %get3A_120, %get3A_121] {strides = array<i32>} : memref<5x80x128xf32, #tpu.memory_space<vmem>>, vector<16xf32>,
          %get3A_123 = arith.index_cast %rem3A_34 : i32 to index
          %get3A_124 = arith.index_cast %add3A_100 : i32 to index
          %get3A_125 = arith.constant 32 : index
          %get3A_126 = tpu.vector_load %arg9[%get3A_123, %get3A_124, %get3A_125] {strides = array<i32>} : memref<5x80x128xf32, #tpu.memory_space<vmem>>, vector<16xf32>,
          %mul3A_127 = arith.mulf %get3A_122, %get3A_126 : vector<16xf32>
          %add3A_128 = arith.addf %add3A_118, %mul3A_127 : vector<16xf32>
          %get3A_129 = arith.index_cast %rem3A_34 : i32 to index
          %get3A_130 = arith.index_cast %add3A_100 : i32 to index
          %get3A_131 = arith.constant 48 : index
          %get3A_132 = tpu.vector_load %arg8[%get3A_129, %get3A_130, %get3A_131] {strides = array<i32>} : memref<5x80x128xf32, #tpu.memory_space<vmem>>, vector<16xf32>,
          %get3A_133 = arith.index_cast %rem3A_34 : i32 to index
          %get3A_134 = arith.index_cast %add3A_100 : i32 to index
          %get3A_135 = arith.constant 48 : index
          %get3A_136 = tpu.vector_load %arg9[%get3A_133, %get3A_134, %get3A_135] {strides = array<i32>} : memref<5x80x128xf32, #tpu.memory_space<vmem>>, vector<16xf32>,
          %mul3A_137 = arith.mulf %get3A_132, %get3A_136 : vector<16xf32>
          %add3A_138 = arith.addf %add3A_128, %mul3A_137 : vector<16xf32>
          %get3A_139 = arith.index_cast %rem3A_34 : i32 to index
          %get3A_140 = arith.index_cast %add3A_100 : i32 to index
          %get3A_141 = arith.constant 64 : index
          %get3A_142 = tpu.vector_load %arg8[%get3A_139, %get3A_140, %get3A_141] {strides = array<i32>} : memref<5x80x128xf32, #tpu.memory_space<vmem>>, vector<16xf32>,
          %get3A_143 = arith.index_cast %rem3A_34 : i32 to index
          %get3A_144 = arith.index_cast %add3A_100 : i32 to index
          %get3A_145 = arith.constant 64 : index
          %get3A_146 = tpu.vector_load %arg9[%get3A_143, %get3A_144, %get3A_145] {strides = array<i32>} : memref<5x80x128xf32, #tpu.memory_space<vmem>>, vector<16xf32>,
          %mul3A_147 = arith.mulf %get3A_142, %get3A_146 : vector<16xf32>
          %add3A_148 = arith.addf %add3A_138, %mul3A_147 : vector<16xf32>
          %get3A_149 = arith.index_cast %rem3A_34 : i32 to index
          %get3A_150 = arith.index_cast %add3A_100 : i32 to index
          %get3A_151 = arith.constant 80 : index
          %get3A_152 = tpu.vector_load %arg8[%get3A_149, %get3A_150, %get3A_151] {strides = array<i32>} : memref<5x80x128xf32, #tpu.memory_space<vmem>>, vector<16xf32>,
          %get3A_153 = arith.index_cast %rem3A_34 : i32 to index
          %get3A_154 = arith.index_cast %add3A_100 : i32 to index
          %get3A_155 = arith.constant 80 : index
          %get3A_156 = tpu.vector_load %arg9[%get3A_153, %get3A_154, %get3A_155] {strides = array<i32>} : memref<5x80x128xf32, #tpu.memory_space<vmem>>, vector<16xf32>,
          %mul3A_157 = arith.mulf %get3A_152, %get3A_156 : vector<16xf32>
          %add3A_158 = arith.addf %add3A_148, %mul3A_157 : vector<16xf32>
          %get3A_159 = arith.index_cast %rem3A_34 : i32 to index
          %get3A_160 = arith.index_cast %add3A_100 : i32 to index
          %get3A_161 = arith.constant 96 : index
          %get3A_162 = tpu.vector_load %arg8[%get3A_159, %get3A_160, %get3A_161] {strides = array<i32>} : memref<5x80x128xf32, #tpu.memory_space<vmem>>, vector<16xf32>,
          %get3A_163 = arith.index_cast %rem3A_34 : i32 to index
          %get3A_164 = arith.index_cast %add3A_100 : i32 to index
          %get3A_165 = arith.constant 96 : index
          %get3A_166 = tpu.vector_load %arg9[%get3A_163, %get3A_164, %get3A_165] {strides = array<i32>} : memref<5x80x128xf32, #tpu.memory_space<vmem>>, vector<16xf32>,
          %mul3A_167 = arith.mulf %get3A_162, %get3A_166 : vector<16xf32>
          %add3A_168 = arith.addf %add3A_158, %mul3A_167 : vector<16xf32>
          %get3A_169 = arith.index_cast %rem3A_34 : i32 to index
          %get3A_170 = arith.index_cast %add3A_100 : i32 to index
          %get3A_171 = arith.constant 112 : index
          %get3A_172 = tpu.vector_load %arg8[%get3A_169, %get3A_170, %get3A_171] {strides = array<i32>} : memref<5x80x128xf32, #tpu.memory_space<vmem>>, vector<16xf32>,
          %get3A_173 = arith.index_cast %rem3A_34 : i32 to index
          %get3A_174 = arith.index_cast %add3A_100 : i32 to index
          %get3A_175 = arith.constant 112 : index
          %get3A_176 = tpu.vector_load %arg9[%get3A_173, %get3A_174, %get3A_175] {strides = array<i32>} : memref<5x80x128xf32, #tpu.memory_space<vmem>>, vector<16xf32>,
          %mul3A_177 = arith.mulf %get3A_172, %get3A_176 : vector<16xf32>
          %add3A_178 = arith.addf %add3A_168, %mul3A_177 : vector<16xf32>
          %reduce_sum3A = arith.constant true
          %reduce_sum3A_179 = vector.broadcast %reduce_sum3A : i1 to vector<16xi1>
          %reduce_sum3A_180 = tpu.scan <sum>, %add3A_178 masked %reduce_sum3A_179 : vector<16xf32>, vector<16xi1> -> vector<16xf32>
          %reduce_sum3A_181 = vector.extract %reduce_sum3A_180[15] : f32 from vector<16xf32>
          %broadcast_in_dim3A_182 = vector.broadcast %reduce_sum3A_181 : f32 to vector<16xf32>
          %eq3A = vector.broadcast %scan3A_96 : i32 to vector<16xi32>
          %eq3A_183 = arith.cmpi eq, %iota3A, %eq3A : vector<16xi32>
          %select_n3A = arith.select %eq3A_183, %broadcast_in_dim3A_182, %scan3A_97 : vector<16xi1>, vector<16xf32>
          scf.yield %select_n3A : vector<16xf32>
        }
        %scan3A_90 = arith.constant 16 : i32
        %mul3A_91 = arith.constant 16 : i32
        %mul3A_92 = arith.muli %scan3A_82, %mul3A_91 : i32
        %swap3A = arith.index_cast %rem3A_34 : i32 to index
        %swap3A_93 = arith.index_cast %mul3A_92 : i32 to index
        %swap3A_94 = tpu.vector_load %arg10[%swap3A, %swap3A_93] {strides = array<i32>} : memref<5x80xf32, #tpu.memory_space<vmem>>, vector<16xf32>,
        tpu.vector_store %arg10[%swap3A, %swap3A_93], %scan3A_89 {strides = array<i32>} : memref<5x80xf32, #tpu.memory_space<vmem>>, vector<16xf32>,
        %scan3A_95 = arith.constant 0 : i32
        scf.yield %scan3A_95 : i32
      }
      %scan3A_66 = arith.constant 5 : i32
      %mul3A_67 = arith.constant 125 : i32
      %mul3A_68 = arith.muli %add3A, %mul3A_67 : i32
      %add3A_69 = arith.addi %mul3A_68, %scan3A_32 : i32
      %mul3A_70 = arith.constant 80 : i32
      %mul3A_71 = arith.muli %add3A_69, %mul3A_70 : i32
      %dma_start3A = arith.constant 0 : i32
      %dma_start3A_72 = tpu.memref_slice %arg10[%rem3A_34, %dma_start3A] : memref<5x80xf32, #tpu.memory_space<vmem>> -> memref<1x80xf32, #tpu.memory_space<vmem>>
      %dma_start3A_73 = tpu.memref_squeeze %dma_start3A_72 : memref<1x80xf32, #tpu.memory_space<vmem>> -> memref<80xf32, #tpu.memory_space<vmem>>
      %dma_start3A_74 = tpu.memref_slice %arg5[%mul3A_71] : memref<320000xf32, #tpu.memory_space<hbm>> -> memref<80xf32, #tpu.memory_space<hbm>>
      %dma_start3A_75 = tpu.memref_slice %arg13[%rem3A_34] : memref<5x!tpu.dma_semaphore, #tpu.memory_space<semaphore_mem>> -> memref<1x!tpu.dma_semaphore, #tpu.memory_space<semaphore_mem>>
      %dma_start3A_76 = tpu.memref_squeeze %dma_start3A_75 : memref<1x!tpu.dma_semaphore, #tpu.memory_space<semaphore_mem>> -> memref<!tpu.dma_semaphore, #tpu.memory_space<semaphore_mem>>
      %dma_start3A_77 = tpu.memref_slice %arg5[%mul3A_71] : memref<320000xf32, #tpu.memory_space<hbm>> -> memref<80xf32, #tpu.memory_space<hbm>>
      %dma_start3A_78 = arith.constant 0 : i32
      %dma_start3A_79 = tpu.memref_slice %arg10[%rem3A_34, %dma_start3A_78] : memref<5x80xf32, #tpu.memory_space<vmem>> -> memref<1x80xf32, #tpu.memory_space<vmem>>
      %dma_start3A_80 = tpu.memref_squeeze %dma_start3A_79 : memref<1x80xf32, #tpu.memory_space<vmem>> -> memref<80xf32, #tpu.memory_space<vmem>>
      tpu.enqueue_dma source(%dma_start3A_80 : memref<80xf32, #tpu.memory_space<vmem>>) target(%dma_start3A_77 : memref<80xf32, #tpu.memory_space<hbm>>) target_semaphore(%dma_start3A_76 : memref<!tpu.dma_semaphore, #tpu.memory_space<semaphore_mem>>)
      %scan3A_81 = arith.constant 0 : i32
      scf.yield %scan3A_81 : i32
    }
    %scan3A_24 = arith.constant 5 : i32
    %scan3A_25 = arith.constant 0 : i32
    %scan3A_26 = arith.constant 0 : i32
    %scan3A_27 = arith.constant 5 : i32
    %scan3A_28 = arith.addi %scan3A_26, %scan3A_27 : i32
    %scan3A_29 = arith.constant 1 : i32
    %scan3A_30 = scf.for %scan3A_32 = %scan3A_26 to %scan3A_28 step %scan3A_29 iter_args(%scan3A_33 = %scan3A_25) -> (i32)  : i32 {
      %add3A_34 = arith.constant 120 : i32
      %add3A_35 = arith.addi %add3A_34, %scan3A_32 : i32
      %rem3A = arith.constant 5 : i32
      %rem3A_36 = arith.remsi %add3A_35, %rem3A : i32
      %mul3A_37 = arith.constant 125 : i32
      %mul3A_38 = arith.muli %add3A, %mul3A_37 : i32
      %add3A_39 = arith.addi %mul3A_38, %add3A_35 : i32
      %mul3A_40 = arith.constant 80 : i32
      %mul3A_41 = arith.muli %add3A_39, %mul3A_40 : i32
      %dma_wait3A = arith.constant 0 : i32
      %dma_wait3A_42 = tpu.memref_slice %arg10[%rem3A_36, %dma_wait3A] : memref<5x80xf32, #tpu.memory_space<vmem>> -> memref<1x80xf32, #tpu.memory_space<vmem>>
      %dma_wait3A_43 = tpu.memref_squeeze %dma_wait3A_42 : memref<1x80xf32, #tpu.memory_space<vmem>> -> memref<80xf32, #tpu.memory_space<vmem>>
      %dma_wait3A_44 = tpu.memref_slice %arg5[%mul3A_41] : memref<320000xf32, #tpu.memory_space<hbm>> -> memref<80xf32, #tpu.memory_space<hbm>>
      %dma_wait3A_45 = tpu.memref_slice %arg13[%rem3A_36] : memref<5x!tpu.dma_semaphore, #tpu.memory_space<semaphore_mem>> -> memref<1x!tpu.dma_semaphore, #tpu.memory_space<semaphore_mem>>
      %dma_wait3A_46 = tpu.memref_squeeze %dma_wait3A_45 : memref<1x!tpu.dma_semaphore, #tpu.memory_space<semaphore_mem>> -> memref<!tpu.dma_semaphore, #tpu.memory_space<semaphore_mem>>
      %dma_wait3A_47 = tpu.memref_slice %arg5[%mul3A_41] : memref<320000xf32, #tpu.memory_space<hbm>> -> memref<80xf32, #tpu.memory_space<hbm>>
      %dma_wait3A_48 = arith.constant 0 : i32
      %dma_wait3A_49 = tpu.memref_slice %arg10[%rem3A_36, %dma_wait3A_48] : memref<5x80xf32, #tpu.memory_space<vmem>> -> memref<1x80xf32, #tpu.memory_space<vmem>>
      %dma_wait3A_50 = tpu.memref_squeeze %dma_wait3A_49 : memref<1x80xf32, #tpu.memory_space<vmem>> -> memref<80xf32, #tpu.memory_space<vmem>>
      tpu.wait_dma2 semaphore(%dma_wait3A_46 : memref<!tpu.dma_semaphore, #tpu.memory_space<semaphore_mem>>) src(%dma_wait3A_50 : memref<80xf32, #tpu.memory_space<vmem>>) dst(%dma_wait3A_47 : memref<80xf32, #tpu.memory_space<hbm>>)
      %scan3A_51 = arith.constant 0 : i32
      scf.yield %scan3A_51 : i32
    }
    %scan3A_31 = arith.constant 5 : i32
    return
  }
}

#map = affine_map<(d0, d1) -> (0, 0)>
#map1 = affine_map<(d0, d1) -> (0)>
#map2 = affine_map<(d0, d1) -> (0, 0, 0)>
module attributes {stable_mosaic.version = 14 : i64} {
  func.func @k(%arg0: i32, %arg1: i32, %arg2: memref<10000x128xf32, #tpu.memory_space<hbm>>, %arg3: memref<320000xi32, #tpu.memory_space<hbm>>, %arg4: memref<320000xi32, #tpu.memory_space<hbm>>, %arg5: memref<2x10240x128xf32, #tpu.memory_space<hbm>>, %arg6: memref<10000xi32, #tpu.memory_space<vmem>>, %arg7: memref<10000xi32, #tpu.memory_space<vmem>>, %arg8: memref<5x40x128xf32, #tpu.memory_space<vmem>>, %arg9: memref<10240x128xf32, #tpu.memory_space<vmem_shared>>, %arg10: memref<5x!tpu.dma_semaphore, #tpu.memory_space<semaphore_mem>>, %arg11: memref<5x!tpu.dma_semaphore, #tpu.memory_space<semaphore_mem>>) attributes {dimension_semantics = [#tpu.dimension_semantics<core_parallel>, #tpu.dimension_semantics<subcore_parallel>], iteration_bounds = array<i64: 2, 16>, scalar_prefetch = 0 : i64, scratch_operands = 6 : i64, tpu.core_type = #tpu.core_type<sc_vector_subcore>, window_params = [{transform_indices = #map}, {transform_indices = #map1}, {transform_indices = #map1}, {transform_indices = #map2}]} {
    %mul3A = arith.constant 2 : i32
    %mul3A_0 = arith.muli %arg1, %mul3A : i32
    %add3A = arith.addi %mul3A_0, %arg0 : i32
    %mul3A_1 = arith.constant 10000 : i32
    %mul3A_2 = arith.muli %add3A, %mul3A_1 : i32
    "tpu.region"() ({
      %run_scoped3A = tpu.sem_alloc : memref<!tpu.dma_semaphore, #tpu.memory_space<semaphore_mem>>
      %dma_start3A = tpu.memref_slice %arg3[%mul3A_2] : memref<320000xi32, #tpu.memory_space<hbm>> -> memref<10000xi32, #tpu.memory_space<hbm>>
      %dma_start3A_44 = tpu.memref_slice %arg3[%mul3A_2] : memref<320000xi32, #tpu.memory_space<hbm>> -> memref<10000xi32, #tpu.memory_space<hbm>>
      tpu.enqueue_dma source(%dma_start3A_44 : memref<10000xi32, #tpu.memory_space<hbm>>) target(%arg6 : memref<10000xi32, #tpu.memory_space<vmem>>) target_semaphore(%run_scoped3A : memref<!tpu.dma_semaphore, #tpu.memory_space<semaphore_mem>>)
      %dma_wait3A = tpu.memref_slice %arg3[%mul3A_2] : memref<320000xi32, #tpu.memory_space<hbm>> -> memref<10000xi32, #tpu.memory_space<hbm>>
      %dma_wait3A_45 = tpu.memref_slice %arg3[%mul3A_2] : memref<320000xi32, #tpu.memory_space<hbm>> -> memref<10000xi32, #tpu.memory_space<hbm>>
      tpu.wait_dma2 semaphore(%run_scoped3A : memref<!tpu.dma_semaphore, #tpu.memory_space<semaphore_mem>>) src(%dma_wait3A_45 : memref<10000xi32, #tpu.memory_space<hbm>>) dst(%arg6 : memref<10000xi32, #tpu.memory_space<vmem>>)
      tpu.yield
    }) : () -> ()
    %mul3A_3 = arith.constant 10000 : i32
    %mul3A_4 = arith.muli %add3A, %mul3A_3 : i32
    "tpu.region"() ({
      %run_scoped3A = tpu.sem_alloc : memref<!tpu.dma_semaphore, #tpu.memory_space<semaphore_mem>>
      %dma_start3A = tpu.memref_slice %arg4[%mul3A_4] : memref<320000xi32, #tpu.memory_space<hbm>> -> memref<10000xi32, #tpu.memory_space<hbm>>
      %dma_start3A_44 = tpu.memref_slice %arg4[%mul3A_4] : memref<320000xi32, #tpu.memory_space<hbm>> -> memref<10000xi32, #tpu.memory_space<hbm>>
      tpu.enqueue_dma source(%dma_start3A_44 : memref<10000xi32, #tpu.memory_space<hbm>>) target(%arg7 : memref<10000xi32, #tpu.memory_space<vmem>>) target_semaphore(%run_scoped3A : memref<!tpu.dma_semaphore, #tpu.memory_space<semaphore_mem>>)
      %dma_wait3A = tpu.memref_slice %arg4[%mul3A_4] : memref<320000xi32, #tpu.memory_space<hbm>> -> memref<10000xi32, #tpu.memory_space<hbm>>
      %dma_wait3A_45 = tpu.memref_slice %arg4[%mul3A_4] : memref<320000xi32, #tpu.memory_space<hbm>> -> memref<10000xi32, #tpu.memory_space<hbm>>
      tpu.wait_dma2 semaphore(%run_scoped3A : memref<!tpu.dma_semaphore, #tpu.memory_space<semaphore_mem>>) src(%dma_wait3A_45 : memref<10000xi32, #tpu.memory_space<hbm>>) dst(%arg7 : memref<10000xi32, #tpu.memory_space<vmem>>)
      tpu.yield
    }) : () -> ()
    %scan3A = arith.constant 0 : i32
    %scan3A_5 = arith.constant 0 : i32
    %scan3A_6 = arith.constant 320 : i32
    %scan3A_7 = arith.addi %scan3A_5, %scan3A_6 : i32
    %scan3A_8 = arith.constant 1 : i32
    %scan3A_9 = scf.for %scan3A_44 = %scan3A_5 to %scan3A_7 step %scan3A_8 iter_args(%scan3A_45 = %scan3A) -> (i32)  : i32 {
      %jit3A = arith.constant 8 : i32
      %div3A = arith.divsi %scan3A_44, %jit3A : i32
      %sign3A = arith.constant 0 : i32
      %sign3A_46 = arith.cmpi sgt, %scan3A_44, %sign3A : i32
      %sign3A_47 = arith.extui %sign3A_46 : i1 to i32
      %sign3A_48 = arith.constant 0 : i32
      %sign3A_49 = arith.cmpi slt, %scan3A_44, %sign3A_48 : i32
      %sign3A_50 = arith.extui %sign3A_49 : i1 to i32
      %sign3A_51 = arith.subi %sign3A_47, %sign3A_50 : i32
      %sign3A_52 = arith.constant 0 : i32
      %sign3A_53 = arith.cmpi sgt, %jit3A, %sign3A_52 : i32
      %sign3A_54 = arith.extui %sign3A_53 : i1 to i32
      %sign3A_55 = arith.constant 0 : i32
      %sign3A_56 = arith.cmpi slt, %jit3A, %sign3A_55 : i32
      %sign3A_57 = arith.extui %sign3A_56 : i1 to i32
      %sign3A_58 = arith.subi %sign3A_54, %sign3A_57 : i32
      %ne3A = arith.cmpi ne, %sign3A_51, %sign3A_58 : i32
      %rem3A = arith.remsi %scan3A_44, %jit3A : i32
      %ne3A_59 = arith.constant 0 : i32
      %ne3A_60 = arith.cmpi ne, %rem3A, %ne3A_59 : i32
      %and3A = arith.andi %ne3A, %ne3A_60 : i1
      %sub3A = arith.constant 1 : i32
      %sub3A_61 = arith.subi %div3A, %sub3A : i32
      %select_n3A = arith.select %and3A, %sub3A_61, %div3A : i32
      %jit3A_62 = arith.constant 8 : i32
      %eq3A = arith.constant 0 : i32
      %eq3A_63 = arith.cmpi eq, %jit3A_62, %eq3A : i32
      %jit3A_64 = arith.constant 1 : i32
      %select_n3A_65 = arith.select %eq3A_63, %jit3A_64, %jit3A_62 : i32
      %rem3A_66 = arith.remsi %scan3A_44, %select_n3A_65 : i32
      %ne3A_67 = arith.constant 0 : i32
      %ne3A_68 = arith.cmpi ne, %rem3A_66, %ne3A_67 : i32
      %lt3A = arith.constant 0 : i32
      %lt3A_69 = arith.cmpi slt, %rem3A_66, %lt3A : i32
      %lt3A_70 = arith.constant 0 : i32
      %lt3A_71 = arith.cmpi slt, %select_n3A_65, %lt3A_70 : i32
      %ne3A_72 = arith.xori %lt3A_69, %lt3A_71 : i1
      %and3A_73 = arith.andi %ne3A_72, %ne3A_68 : i1
      %add3A_74 = arith.addi %rem3A_66, %select_n3A_65 : i32
      %select_n3A_75 = arith.select %and3A_73, %add3A_74, %rem3A_66 : i32
      %broadcast_in_dim3A = arith.constant 0.000000e+00 : f32
      %broadcast_in_dim3A_76 = vector.broadcast %broadcast_in_dim3A : f32 to vector<16xf32>
      %mul3A_77 = arith.constant 16 : i32
      %mul3A_78 = arith.muli %select_n3A_75, %mul3A_77 : i32
      %swap3A = arith.constant 0 : i32
      %swap3A_79 = arith.index_cast %swap3A : i32 to index
      %swap3A_80 = arith.index_cast %select_n3A : i32 to index
      %swap3A_81 = arith.index_cast %mul3A_78 : i32 to index
      %swap3A_82 = tpu.vector_load %arg8[%swap3A_79, %swap3A_80, %swap3A_81] {strides = array<i32>} : memref<5x40x128xf32, #tpu.memory_space<vmem>>, vector<16xf32>,
      tpu.vector_store %arg8[%swap3A_79, %swap3A_80, %swap3A_81], %broadcast_in_dim3A_76 {strides = array<i32>} : memref<5x40x128xf32, #tpu.memory_space<vmem>>, vector<16xf32>,
      %scan3A_83 = arith.constant 0 : i32
      scf.yield %scan3A_83 : i32
    }
    %scan3A_10 = arith.constant 320 : i32
    %scan3A_11 = arith.constant 0 : i32
    %scan3A_12 = arith.constant 0 : i32
    %scan3A_13 = arith.constant 16 : i32
    %scan3A_14 = arith.addi %scan3A_12, %scan3A_13 : i32
    %scan3A_15 = arith.constant 1 : i32
    %scan3A_16 = scf.for %scan3A_44 = %scan3A_12 to %scan3A_14 step %scan3A_15 iter_args(%scan3A_45 = %scan3A_11) -> (i32)  : i32 {
      %mul3A_46 = arith.constant 16 : i32
      %mul3A_47 = arith.muli %arg1, %mul3A_46 : i32
      %add3A_48 = arith.addi %mul3A_47, %scan3A_44 : i32
      %mul3A_49 = arith.constant 40 : i32
      %mul3A_50 = arith.muli %add3A_48, %mul3A_49 : i32
      %run_scoped3A = arith.constant 0 : i32
      "tpu.region"() ({
        %run_scoped3A_52 = tpu.sem_alloc : memref<!tpu.dma_semaphore, #tpu.memory_space<semaphore_mem>>
        %dma_start3A = arith.constant 0 : i32
        %dma_start3A_53 = arith.constant 0 : i32
        %dma_start3A_54 = tpu.memref_slice %arg8[%run_scoped3A, %dma_start3A, %dma_start3A_53] : memref<5x40x128xf32, #tpu.memory_space<vmem>> -> memref<1x40x128xf32, #tpu.memory_space<vmem>>
        %dma_start3A_55 = tpu.memref_squeeze %dma_start3A_54 : memref<1x40x128xf32, #tpu.memory_space<vmem>> -> memref<40x128xf32, #tpu.memory_space<vmem>>
        %dma_start3A_56 = arith.constant 0 : i32
        %dma_start3A_57 = tpu.memref_slice %arg9[%mul3A_50, %dma_start3A_56] : memref<10240x128xf32, #tpu.memory_space<vmem_shared>> -> memref<40x128xf32, #tpu.memory_space<vmem_shared>>
        %dma_start3A_58 = arith.constant 0 : i32
        %dma_start3A_59 = tpu.memref_slice %arg9[%mul3A_50, %dma_start3A_58] : memref<10240x128xf32, #tpu.memory_space<vmem_shared>> -> memref<40x128xf32, #tpu.memory_space<vmem_shared>>
        %dma_start3A_60 = arith.constant 0 : i32
        %dma_start3A_61 = arith.constant 0 : i32
        %dma_start3A_62 = tpu.memref_slice %arg8[%run_scoped3A, %dma_start3A_60, %dma_start3A_61] : memref<5x40x128xf32, #tpu.memory_space<vmem>> -> memref<1x40x128xf32, #tpu.memory_space<vmem>>
        %dma_start3A_63 = tpu.memref_squeeze %dma_start3A_62 : memref<1x40x128xf32, #tpu.memory_space<vmem>> -> memref<40x128xf32, #tpu.memory_space<vmem>>
        tpu.enqueue_dma source(%dma_start3A_63 : memref<40x128xf32, #tpu.memory_space<vmem>>) target(%dma_start3A_59 : memref<40x128xf32, #tpu.memory_space<vmem_shared>>) target_semaphore(%run_scoped3A_52 : memref<!tpu.dma_semaphore, #tpu.memory_space<semaphore_mem>>)
        %dma_wait3A = arith.constant 0 : i32
        %dma_wait3A_64 = arith.constant 0 : i32
        %dma_wait3A_65 = tpu.memref_slice %arg8[%run_scoped3A, %dma_wait3A, %dma_wait3A_64] : memref<5x40x128xf32, #tpu.memory_space<vmem>> -> memref<1x40x128xf32, #tpu.memory_space<vmem>>
        %dma_wait3A_66 = tpu.memref_squeeze %dma_wait3A_65 : memref<1x40x128xf32, #tpu.memory_space<vmem>> -> memref<40x128xf32, #tpu.memory_space<vmem>>
        %dma_wait3A_67 = arith.constant 0 : i32
        %dma_wait3A_68 = tpu.memref_slice %arg9[%mul3A_50, %dma_wait3A_67] : memref<10240x128xf32, #tpu.memory_space<vmem_shared>> -> memref<40x128xf32, #tpu.memory_space<vmem_shared>>
        %dma_wait3A_69 = arith.constant 0 : i32
        %dma_wait3A_70 = tpu.memref_slice %arg9[%mul3A_50, %dma_wait3A_69] : memref<10240x128xf32, #tpu.memory_space<vmem_shared>> -> memref<40x128xf32, #tpu.memory_space<vmem_shared>>
        %dma_wait3A_71 = arith.constant 0 : i32
        %dma_wait3A_72 = arith.constant 0 : i32
        %dma_wait3A_73 = tpu.memref_slice %arg8[%run_scoped3A, %dma_wait3A_71, %dma_wait3A_72] : memref<5x40x128xf32, #tpu.memory_space<vmem>> -> memref<1x40x128xf32, #tpu.memory_space<vmem>>
        %dma_wait3A_74 = tpu.memref_squeeze %dma_wait3A_73 : memref<1x40x128xf32, #tpu.memory_space<vmem>> -> memref<40x128xf32, #tpu.memory_space<vmem>>
        tpu.wait_dma2 semaphore(%run_scoped3A_52 : memref<!tpu.dma_semaphore, #tpu.memory_space<semaphore_mem>>) src(%dma_wait3A_74 : memref<40x128xf32, #tpu.memory_space<vmem>>) dst(%dma_wait3A_70 : memref<40x128xf32, #tpu.memory_space<vmem_shared>>)
        tpu.yield
      }) : () -> ()
      %scan3A_51 = arith.constant 0 : i32
      scf.yield %scan3A_51 : i32
    }
    %scan3A_17 = arith.constant 16 : i32
    %barrier3A = arith.constant 0 : index
    tpu.barrier barrier_id(%barrier3A)
    %scan3A_18 = arith.constant 0 : i32
    %scan3A_19 = arith.constant 0 : i32
    %scan3A_20 = arith.constant 5 : i32
    %scan3A_21 = arith.addi %scan3A_19, %scan3A_20 : i32
    %scan3A_22 = arith.constant 1 : i32
    %scan3A_23 = scf.for %scan3A_44 = %scan3A_19 to %scan3A_21 step %scan3A_22 iter_args(%scan3A_45 = %scan3A_18) -> (i32)  : i32 {
      %mul3A_46 = arith.constant 40 : i32
      %mul3A_47 = arith.muli %scan3A_44, %mul3A_46 : i32
      %dma_start3A = arith.constant 0 : i32
      %dma_start3A_48 = arith.constant 0 : i32
      %dma_start3A_49 = tpu.memref_slice %arg8[%scan3A_44, %dma_start3A, %dma_start3A_48] : memref<5x40x128xf32, #tpu.memory_space<vmem>> -> memref<1x40x128xf32, #tpu.memory_space<vmem>>
      %dma_start3A_50 = tpu.memref_squeeze %dma_start3A_49 : memref<1x40x128xf32, #tpu.memory_space<vmem>> -> memref<40x128xf32, #tpu.memory_space<vmem>>
      %dma_start3A_51 = tpu.memref_slice %arg6[%mul3A_47] : memref<10000xi32, #tpu.memory_space<vmem>> -> memref<40xi32, #tpu.memory_space<vmem>>
      %dma_start3A_52 = arith.constant 0 : i32
      %dma_start3A_53 = arith.constant 0 : i32
      %dma_start3A_54 = tpu.memref_slice %arg2[%dma_start3A_52, %dma_start3A_53] : memref<10000x128xf32, #tpu.memory_space<hbm>> -> memref<10000x128xf32, #tpu.memory_space<hbm>>
      %dma_start3A_55 = tpu.memref_slice %arg10[%scan3A_44] : memref<5x!tpu.dma_semaphore, #tpu.memory_space<semaphore_mem>> -> memref<1x!tpu.dma_semaphore, #tpu.memory_space<semaphore_mem>>
      %dma_start3A_56 = tpu.memref_squeeze %dma_start3A_55 : memref<1x!tpu.dma_semaphore, #tpu.memory_space<semaphore_mem>> -> memref<!tpu.dma_semaphore, #tpu.memory_space<semaphore_mem>>
      tpu.enqueue_indirect_dma source(%dma_start3A_54 : memref<10000x128xf32, #tpu.memory_space<hbm>>) target(%dma_start3A_50 : memref<40x128xf32, #tpu.memory_space<vmem>>) offsets(%dma_start3A_51 : memref<40xi32, #tpu.memory_space<vmem>>) semaphore(%dma_start3A_56 : memref<!tpu.dma_semaphore, #tpu.memory_space<semaphore_mem>>)
      %scan3A_57 = arith.constant 0 : i32
      scf.yield %scan3A_57 : i32
    }
    %scan3A_24 = arith.constant 5 : i32
    %scan3A_25 = arith.constant 0 : i32
    %scan3A_26 = arith.constant 0 : i32
    %scan3A_27 = arith.constant 245 : i32
    %scan3A_28 = arith.addi %scan3A_26, %scan3A_27 : i32
    %scan3A_29 = arith.constant 1 : i32
    %scan3A_30 = scf.for %scan3A_44 = %scan3A_26 to %scan3A_28 step %scan3A_29 iter_args(%scan3A_45 = %scan3A_25) -> (i32)  : i32 {
      %rem3A = arith.constant 5 : i32
      %rem3A_46 = arith.remsi %scan3A_44, %rem3A : i32
      %mul3A_47 = arith.constant 40 : i32
      %mul3A_48 = arith.muli %scan3A_44, %mul3A_47 : i32
      %dma_wait3A = arith.constant 0 : i32
      %dma_wait3A_49 = arith.constant 0 : i32
      %dma_wait3A_50 = tpu.memref_slice %arg8[%rem3A_46, %dma_wait3A, %dma_wait3A_49] : memref<5x40x128xf32, #tpu.memory_space<vmem>> -> memref<1x40x128xf32, #tpu.memory_space<vmem>>
      %dma_wait3A_51 = tpu.memref_squeeze %dma_wait3A_50 : memref<1x40x128xf32, #tpu.memory_space<vmem>> -> memref<40x128xf32, #tpu.memory_space<vmem>>
      %dma_wait3A_52 = tpu.memref_slice %arg6[%mul3A_48] : memref<10000xi32, #tpu.memory_space<vmem>> -> memref<40xi32, #tpu.memory_space<vmem>>
      %dma_wait3A_53 = arith.constant 0 : i32
      %dma_wait3A_54 = arith.constant 0 : i32
      %dma_wait3A_55 = tpu.memref_slice %arg2[%dma_wait3A_53, %dma_wait3A_54] : memref<10000x128xf32, #tpu.memory_space<hbm>> -> memref<10000x128xf32, #tpu.memory_space<hbm>>
      %dma_wait3A_56 = tpu.memref_slice %arg10[%rem3A_46] : memref<5x!tpu.dma_semaphore, #tpu.memory_space<semaphore_mem>> -> memref<1x!tpu.dma_semaphore, #tpu.memory_space<semaphore_mem>>
      %dma_wait3A_57 = tpu.memref_squeeze %dma_wait3A_56 : memref<1x!tpu.dma_semaphore, #tpu.memory_space<semaphore_mem>> -> memref<!tpu.dma_semaphore, #tpu.memory_space<semaphore_mem>>
      tpu.wait_indirect_dma semaphore(%dma_wait3A_57 : memref<!tpu.dma_semaphore, #tpu.memory_space<semaphore_mem>>) src(%dma_wait3A_55 : memref<10000x128xf32, #tpu.memory_space<hbm>>) dst(%dma_wait3A_51 : memref<40x128xf32, #tpu.memory_space<vmem>>)
      %mul3A_58 = arith.constant 40 : i32
      %mul3A_59 = arith.muli %scan3A_44, %mul3A_58 : i32
      %dma_start3A = arith.constant 0 : i32
      %dma_start3A_60 = arith.constant 0 : i32
      %dma_start3A_61 = tpu.memref_slice %arg8[%rem3A_46, %dma_start3A, %dma_start3A_60] : memref<5x40x128xf32, #tpu.memory_space<vmem>> -> memref<1x40x128xf32, #tpu.memory_space<vmem>>
      %dma_start3A_62 = tpu.memref_squeeze %dma_start3A_61 : memref<1x40x128xf32, #tpu.memory_space<vmem>> -> memref<40x128xf32, #tpu.memory_space<vmem>>
      %dma_start3A_63 = tpu.memref_slice %arg7[%mul3A_59] : memref<10000xi32, #tpu.memory_space<vmem>> -> memref<40xi32, #tpu.memory_space<vmem>>
      %dma_start3A_64 = arith.constant 0 : i32
      %dma_start3A_65 = arith.constant 0 : i32
      %dma_start3A_66 = tpu.memref_slice %arg9[%dma_start3A_64, %dma_start3A_65] : memref<10240x128xf32, #tpu.memory_space<vmem_shared>> -> memref<10240x128xf32, #tpu.memory_space<vmem_shared>>
      %dma_start3A_67 = tpu.memref_slice %arg11[%rem3A_46] : memref<5x!tpu.dma_semaphore, #tpu.memory_space<semaphore_mem>> -> memref<1x!tpu.dma_semaphore, #tpu.memory_space<semaphore_mem>>
      %dma_start3A_68 = tpu.memref_squeeze %dma_start3A_67 : memref<1x!tpu.dma_semaphore, #tpu.memory_space<semaphore_mem>> -> memref<!tpu.dma_semaphore, #tpu.memory_space<semaphore_mem>>
      tpu.enqueue_indirect_dma source(%dma_start3A_62 : memref<40x128xf32, #tpu.memory_space<vmem>>) target(%dma_start3A_66 : memref<10240x128xf32, #tpu.memory_space<vmem_shared>>) offsets(%dma_start3A_63 : memref<40xi32, #tpu.memory_space<vmem>>) semaphore(%dma_start3A_68 : memref<!tpu.dma_semaphore, #tpu.memory_space<semaphore_mem>>) {add = true}
      %mul3A_69 = arith.constant 40 : i32
      %mul3A_70 = arith.muli %scan3A_44, %mul3A_69 : i32
      %dma_wait3A_71 = arith.constant 0 : i32
      %dma_wait3A_72 = arith.constant 0 : i32
      %dma_wait3A_73 = tpu.memref_slice %arg8[%rem3A_46, %dma_wait3A_71, %dma_wait3A_72] : memref<5x40x128xf32, #tpu.memory_space<vmem>> -> memref<1x40x128xf32, #tpu.memory_space<vmem>>
      %dma_wait3A_74 = tpu.memref_squeeze %dma_wait3A_73 : memref<1x40x128xf32, #tpu.memory_space<vmem>> -> memref<40x128xf32, #tpu.memory_space<vmem>>
      %dma_wait3A_75 = tpu.memref_slice %arg7[%mul3A_70] : memref<10000xi32, #tpu.memory_space<vmem>> -> memref<40xi32, #tpu.memory_space<vmem>>
      %dma_wait3A_76 = arith.constant 0 : i32
      %dma_wait3A_77 = arith.constant 0 : i32
      %dma_wait3A_78 = tpu.memref_slice %arg9[%dma_wait3A_76, %dma_wait3A_77] : memref<10240x128xf32, #tpu.memory_space<vmem_shared>> -> memref<10240x128xf32, #tpu.memory_space<vmem_shared>>
      %dma_wait3A_79 = tpu.memref_slice %arg11[%rem3A_46] : memref<5x!tpu.dma_semaphore, #tpu.memory_space<semaphore_mem>> -> memref<1x!tpu.dma_semaphore, #tpu.memory_space<semaphore_mem>>
      %dma_wait3A_80 = tpu.memref_squeeze %dma_wait3A_79 : memref<1x!tpu.dma_semaphore, #tpu.memory_space<semaphore_mem>> -> memref<!tpu.dma_semaphore, #tpu.memory_space<semaphore_mem>>
      tpu.wait_indirect_dma semaphore(%dma_wait3A_80 : memref<!tpu.dma_semaphore, #tpu.memory_space<semaphore_mem>>) src(%dma_wait3A_74 : memref<40x128xf32, #tpu.memory_space<vmem>>) dst(%dma_wait3A_78 : memref<10240x128xf32, #tpu.memory_space<vmem_shared>>)
      %add3A_81 = arith.constant 5 : i32
      %add3A_82 = arith.addi %scan3A_44, %add3A_81 : i32
      %mul3A_83 = arith.constant 40 : i32
      %mul3A_84 = arith.muli %add3A_82, %mul3A_83 : i32
      %dma_start3A_85 = arith.constant 0 : i32
      %dma_start3A_86 = arith.constant 0 : i32
      %dma_start3A_87 = tpu.memref_slice %arg8[%rem3A_46, %dma_start3A_85, %dma_start3A_86] : memref<5x40x128xf32, #tpu.memory_space<vmem>> -> memref<1x40x128xf32, #tpu.memory_space<vmem>>
      %dma_start3A_88 = tpu.memref_squeeze %dma_start3A_87 : memref<1x40x128xf32, #tpu.memory_space<vmem>> -> memref<40x128xf32, #tpu.memory_space<vmem>>
      %dma_start3A_89 = tpu.memref_slice %arg6[%mul3A_84] : memref<10000xi32, #tpu.memory_space<vmem>> -> memref<40xi32, #tpu.memory_space<vmem>>
      %dma_start3A_90 = arith.constant 0 : i32
      %dma_start3A_91 = arith.constant 0 : i32
      %dma_start3A_92 = tpu.memref_slice %arg2[%dma_start3A_90, %dma_start3A_91] : memref<10000x128xf32, #tpu.memory_space<hbm>> -> memref<10000x128xf32, #tpu.memory_space<hbm>>
      %dma_start3A_93 = tpu.memref_slice %arg10[%rem3A_46] : memref<5x!tpu.dma_semaphore, #tpu.memory_space<semaphore_mem>> -> memref<1x!tpu.dma_semaphore, #tpu.memory_space<semaphore_mem>>
      %dma_start3A_94 = tpu.memref_squeeze %dma_start3A_93 : memref<1x!tpu.dma_semaphore, #tpu.memory_space<semaphore_mem>> -> memref<!tpu.dma_semaphore, #tpu.memory_space<semaphore_mem>>
      tpu.enqueue_indirect_dma source(%dma_start3A_92 : memref<10000x128xf32, #tpu.memory_space<hbm>>) target(%dma_start3A_88 : memref<40x128xf32, #tpu.memory_space<vmem>>) offsets(%dma_start3A_89 : memref<40xi32, #tpu.memory_space<vmem>>) semaphore(%dma_start3A_94 : memref<!tpu.dma_semaphore, #tpu.memory_space<semaphore_mem>>)
      %scan3A_95 = arith.constant 0 : i32
      scf.yield %scan3A_95 : i32
    }
    %scan3A_31 = arith.constant 245 : i32
    %scan3A_32 = arith.constant 0 : i32
    %scan3A_33 = arith.constant 245 : i32
    %scan3A_34 = arith.constant 5 : i32
    %scan3A_35 = arith.addi %scan3A_33, %scan3A_34 : i32
    %scan3A_36 = arith.constant 1 : i32
    %scan3A_37 = scf.for %scan3A_44 = %scan3A_33 to %scan3A_35 step %scan3A_36 iter_args(%scan3A_45 = %scan3A_32) -> (i32)  : i32 {
      %rem3A = arith.constant 5 : i32
      %rem3A_46 = arith.remsi %scan3A_44, %rem3A : i32
      %mul3A_47 = arith.constant 40 : i32
      %mul3A_48 = arith.muli %scan3A_44, %mul3A_47 : i32
      %dma_wait3A = arith.constant 0 : i32
      %dma_wait3A_49 = arith.constant 0 : i32
      %dma_wait3A_50 = tpu.memref_slice %arg8[%rem3A_46, %dma_wait3A, %dma_wait3A_49] : memref<5x40x128xf32, #tpu.memory_space<vmem>> -> memref<1x40x128xf32, #tpu.memory_space<vmem>>
      %dma_wait3A_51 = tpu.memref_squeeze %dma_wait3A_50 : memref<1x40x128xf32, #tpu.memory_space<vmem>> -> memref<40x128xf32, #tpu.memory_space<vmem>>
      %dma_wait3A_52 = tpu.memref_slice %arg6[%mul3A_48] : memref<10000xi32, #tpu.memory_space<vmem>> -> memref<40xi32, #tpu.memory_space<vmem>>
      %dma_wait3A_53 = arith.constant 0 : i32
      %dma_wait3A_54 = arith.constant 0 : i32
      %dma_wait3A_55 = tpu.memref_slice %arg2[%dma_wait3A_53, %dma_wait3A_54] : memref<10000x128xf32, #tpu.memory_space<hbm>> -> memref<10000x128xf32, #tpu.memory_space<hbm>>
      %dma_wait3A_56 = tpu.memref_slice %arg10[%rem3A_46] : memref<5x!tpu.dma_semaphore, #tpu.memory_space<semaphore_mem>> -> memref<1x!tpu.dma_semaphore, #tpu.memory_space<semaphore_mem>>
      %dma_wait3A_57 = tpu.memref_squeeze %dma_wait3A_56 : memref<1x!tpu.dma_semaphore, #tpu.memory_space<semaphore_mem>> -> memref<!tpu.dma_semaphore, #tpu.memory_space<semaphore_mem>>
      tpu.wait_indirect_dma semaphore(%dma_wait3A_57 : memref<!tpu.dma_semaphore, #tpu.memory_space<semaphore_mem>>) src(%dma_wait3A_55 : memref<10000x128xf32, #tpu.memory_space<hbm>>) dst(%dma_wait3A_51 : memref<40x128xf32, #tpu.memory_space<vmem>>)
      %mul3A_58 = arith.constant 40 : i32
      %mul3A_59 = arith.muli %scan3A_44, %mul3A_58 : i32
      %dma_start3A = arith.constant 0 : i32
      %dma_start3A_60 = arith.constant 0 : i32
      %dma_start3A_61 = tpu.memref_slice %arg8[%rem3A_46, %dma_start3A, %dma_start3A_60] : memref<5x40x128xf32, #tpu.memory_space<vmem>> -> memref<1x40x128xf32, #tpu.memory_space<vmem>>
      %dma_start3A_62 = tpu.memref_squeeze %dma_start3A_61 : memref<1x40x128xf32, #tpu.memory_space<vmem>> -> memref<40x128xf32, #tpu.memory_space<vmem>>
      %dma_start3A_63 = tpu.memref_slice %arg7[%mul3A_59] : memref<10000xi32, #tpu.memory_space<vmem>> -> memref<40xi32, #tpu.memory_space<vmem>>
      %dma_start3A_64 = arith.constant 0 : i32
      %dma_start3A_65 = arith.constant 0 : i32
      %dma_start3A_66 = tpu.memref_slice %arg9[%dma_start3A_64, %dma_start3A_65] : memref<10240x128xf32, #tpu.memory_space<vmem_shared>> -> memref<10240x128xf32, #tpu.memory_space<vmem_shared>>
      %dma_start3A_67 = tpu.memref_slice %arg11[%rem3A_46] : memref<5x!tpu.dma_semaphore, #tpu.memory_space<semaphore_mem>> -> memref<1x!tpu.dma_semaphore, #tpu.memory_space<semaphore_mem>>
      %dma_start3A_68 = tpu.memref_squeeze %dma_start3A_67 : memref<1x!tpu.dma_semaphore, #tpu.memory_space<semaphore_mem>> -> memref<!tpu.dma_semaphore, #tpu.memory_space<semaphore_mem>>
      tpu.enqueue_indirect_dma source(%dma_start3A_62 : memref<40x128xf32, #tpu.memory_space<vmem>>) target(%dma_start3A_66 : memref<10240x128xf32, #tpu.memory_space<vmem_shared>>) offsets(%dma_start3A_63 : memref<40xi32, #tpu.memory_space<vmem>>) semaphore(%dma_start3A_68 : memref<!tpu.dma_semaphore, #tpu.memory_space<semaphore_mem>>) {add = true}
      %mul3A_69 = arith.constant 40 : i32
      %mul3A_70 = arith.muli %scan3A_44, %mul3A_69 : i32
      %dma_wait3A_71 = arith.constant 0 : i32
      %dma_wait3A_72 = arith.constant 0 : i32
      %dma_wait3A_73 = tpu.memref_slice %arg8[%rem3A_46, %dma_wait3A_71, %dma_wait3A_72] : memref<5x40x128xf32, #tpu.memory_space<vmem>> -> memref<1x40x128xf32, #tpu.memory_space<vmem>>
      %dma_wait3A_74 = tpu.memref_squeeze %dma_wait3A_73 : memref<1x40x128xf32, #tpu.memory_space<vmem>> -> memref<40x128xf32, #tpu.memory_space<vmem>>
      %dma_wait3A_75 = tpu.memref_slice %arg7[%mul3A_70] : memref<10000xi32, #tpu.memory_space<vmem>> -> memref<40xi32, #tpu.memory_space<vmem>>
      %dma_wait3A_76 = arith.constant 0 : i32
      %dma_wait3A_77 = arith.constant 0 : i32
      %dma_wait3A_78 = tpu.memref_slice %arg9[%dma_wait3A_76, %dma_wait3A_77] : memref<10240x128xf32, #tpu.memory_space<vmem_shared>> -> memref<10240x128xf32, #tpu.memory_space<vmem_shared>>
      %dma_wait3A_79 = tpu.memref_slice %arg11[%rem3A_46] : memref<5x!tpu.dma_semaphore, #tpu.memory_space<semaphore_mem>> -> memref<1x!tpu.dma_semaphore, #tpu.memory_space<semaphore_mem>>
      %dma_wait3A_80 = tpu.memref_squeeze %dma_wait3A_79 : memref<1x!tpu.dma_semaphore, #tpu.memory_space<semaphore_mem>> -> memref<!tpu.dma_semaphore, #tpu.memory_space<semaphore_mem>>
      tpu.wait_indirect_dma semaphore(%dma_wait3A_80 : memref<!tpu.dma_semaphore, #tpu.memory_space<semaphore_mem>>) src(%dma_wait3A_74 : memref<40x128xf32, #tpu.memory_space<vmem>>) dst(%dma_wait3A_78 : memref<10240x128xf32, #tpu.memory_space<vmem_shared>>)
      %scan3A_81 = arith.constant 0 : i32
      scf.yield %scan3A_81 : i32
    }
    %scan3A_38 = arith.constant 5 : i32
    %barrier3A_39 = arith.constant 0 : index
    tpu.barrier barrier_id(%barrier3A_39)
    %mul3A_40 = arith.constant 640 : i32
    %mul3A_41 = arith.muli %arg1, %mul3A_40 : i32
    %mul3A_42 = arith.constant 640 : i32
    %mul3A_43 = arith.muli %arg1, %mul3A_42 : i32
    "tpu.region"() ({
      %run_scoped3A = tpu.sem_alloc : memref<!tpu.dma_semaphore, #tpu.memory_space<semaphore_mem>>
      %dma_start3A = arith.constant 0 : i32
      %dma_start3A_44 = tpu.memref_slice %arg5[%arg0, %mul3A_43, %dma_start3A] : memref<2x10240x128xf32, #tpu.memory_space<hbm>> -> memref<1x640x128xf32, #tpu.memory_space<hbm>>
      %dma_start3A_45 = tpu.memref_squeeze %dma_start3A_44 : memref<1x640x128xf32, #tpu.memory_space<hbm>> -> memref<640x128xf32, #tpu.memory_space<hbm>>
      %dma_start3A_46 = arith.constant 0 : i32
      %dma_start3A_47 = tpu.memref_slice %arg9[%mul3A_41, %dma_start3A_46] : memref<10240x128xf32, #tpu.memory_space<vmem_shared>> -> memref<640x128xf32, #tpu.memory_space<vmem_shared>>
      tpu.enqueue_dma source(%dma_start3A_47 : memref<640x128xf32, #tpu.memory_space<vmem_shared>>) target(%dma_start3A_45 : memref<640x128xf32, #tpu.memory_space<hbm>>) target_semaphore(%run_scoped3A : memref<!tpu.dma_semaphore, #tpu.memory_space<semaphore_mem>>)
      %dma_wait3A = arith.constant 0 : i32
      %dma_wait3A_48 = tpu.memref_slice %arg5[%arg0, %mul3A_43, %dma_wait3A] : memref<2x10240x128xf32, #tpu.memory_space<hbm>> -> memref<1x640x128xf32, #tpu.memory_space<hbm>>
      %dma_wait3A_49 = tpu.memref_squeeze %dma_wait3A_48 : memref<1x640x128xf32, #tpu.memory_space<hbm>> -> memref<640x128xf32, #tpu.memory_space<hbm>>
      %dma_wait3A_50 = arith.constant 0 : i32
      %dma_wait3A_51 = tpu.memref_slice %arg9[%mul3A_41, %dma_wait3A_50] : memref<10240x128xf32, #tpu.memory_space<vmem_shared>> -> memref<640x128xf32, #tpu.memory_space<vmem_shared>>
      tpu.wait_dma2 semaphore(%run_scoped3A : memref<!tpu.dma_semaphore, #tpu.memory_space<semaphore_mem>>) src(%dma_wait3A_51 : memref<640x128xf32, #tpu.memory_space<vmem_shared>>) dst(%dma_wait3A_49 : memref<640x128xf32, #tpu.memory_space<hbm>>)
      tpu.yield
    }) : () -> ()
    return
  }
}

module attributes {stable_mosaic.version = 14 : i64} {
  func.func @body(%arg0: i32, %arg1: memref<1000x128xf32, #tpu.memory_space<vmem>>, %arg2: memref<128x128xf32, #tpu.memory_space<vmem>>, %arg3: memref<1x128xf32, #tpu.memory_space<vmem>>, %arg4: memref<128x128xf32, #tpu.memory_space<vmem>>, %arg5: memref<1000x32xf32, #tpu.memory_space<vmem>>, %arg6: memref<1000x128xf32, #tpu.memory_space<vmem>>) attributes {dimension_semantics = [#tpu.dimension_semantics<arbitrary>], iteration_bounds = array<i64: 10>, scalar_prefetch = 0 : i64, scratch_operands = 0 : i64, tpu.core_type = #tpu.core_type<tc>, window_params = [{transform_indices = @transform_0, window_bounds = array<i64: 1000, 128>}, {pipeline_mode = #tpu.pipeline_mode<synchronous>, transform_indices = @transform_1, window_bounds = array<i64: 128, 128>}, {pipeline_mode = #tpu.pipeline_mode<synchronous>, transform_indices = @transform_2, window_bounds = array<i64: 1, 128>}, {pipeline_mode = #tpu.pipeline_mode<synchronous>, transform_indices = @transform_3, window_bounds = array<i64: 128, 128>}, {transform_indices = @transform_4, window_bounds = array<i64: 1000, 32>}, {transform_indices = @transform_5, window_bounds = array<i64: 1000, 128>}]} {
    %get3A = arith.constant 0 : index
    %get3A_0 = arith.constant 0 : index
    %get3A_1 = vector.load %arg1[%get3A, %get3A_0] : memref<1000x128xf32, #tpu.memory_space<vmem>>, vector<1000x128xf32>
    %get3A_2 = arith.constant 0 : index
    %get3A_3 = arith.constant 0 : index
    %get3A_4 = vector.load %arg2[%get3A_2, %get3A_3] : memref<128x128xf32, #tpu.memory_space<vmem>>, vector<128x128xf32>
    %dot_general3A = arith.constant dense<0.000000e+00> : vector<1000x128xf32>
    %dot_general3A_5 = tpu.matmul %get3A_1, %get3A_4, %dot_general3A {dimension_numbers = #tpu.dot_dimension_numbers<[1], [1], [0], [0], [0, 0, 1, 0], [], []>, transpose_lhs_hint = false} : vector<1000x128xf32>, vector<128x128xf32>, vector<1000x128xf32> -> vector<1000x128xf32>
    %get3A_6 = arith.constant 0 : index
    %get3A_7 = arith.constant 0 : index
    %get3A_8 = vector.load %arg3[%get3A_6, %get3A_7] : memref<1x128xf32, #tpu.memory_space<vmem>>, vector<1x128xf32>
    %add3A = vector.broadcast %get3A_8 : vector<1x128xf32> to vector<1000x128xf32>
    %add3A_9 = arith.addf %dot_general3A_5, %add3A : vector<1000x128xf32>
    %get3A_10 = arith.constant 0 : index
    %get3A_11 = arith.constant 0 : index
    %get3A_12 = vector.load %arg4[%get3A_10, %get3A_11] : memref<128x128xf32, #tpu.memory_space<vmem>>, vector<128x128xf32>
    %dot_general3A_13 = arith.constant dense<0.000000e+00> : vector<1000x128xf32>
    %dot_general3A_14 = tpu.matmul %add3A_9, %get3A_12, %dot_general3A_13 {dimension_numbers = #tpu.dot_dimension_numbers<[1], [1], [0], [0], [0, 0, 1, 0], [], []>, transpose_lhs_hint = false} : vector<1000x128xf32>, vector<128x128xf32>, vector<1000x128xf32> -> vector<1000x128xf32>
    %get3A_15 = arith.constant 0 : index
    %get3A_16 = arith.constant 0 : index
    %get3A_17 = vector.load %arg5[%get3A_15, %get3A_16] : memref<1000x32xf32, #tpu.memory_space<vmem>>, vector<1000x32xf32>
    %reduce_sum3A = arith.constant dense<0.000000e+00> : vector<1000xf32>
    %reduce_sum3A_18 = vector.multi_reduction <add>, %get3A_17, %reduce_sum3A [1] : vector<1000x32xf32> to vector<1000xf32>
    %broadcast_in_dim3A = vector.shape_cast %reduce_sum3A_18 : vector<1000xf32> to vector<1000x1xf32>
    %add3A_19 = arith.constant 1.000000e+00 : f32
    %add3A_20 = vector.broadcast %add3A_19 : f32 to vector<1000x1xf32>
    %add3A_21 = arith.addf %broadcast_in_dim3A, %add3A_20 : vector<1000x1xf32>
    %rsqrt3A = math.rsqrt %add3A_21 : vector<1000x1xf32>
    %mul3A = vector.broadcast %rsqrt3A : vector<1000x1xf32> to vector<1000x128xf32>
    %mul3A_22 = arith.mulf %dot_general3A_14, %mul3A : vector<1000x128xf32>
    %swap3A = arith.constant 0 : index
    %swap3A_23 = arith.constant 0 : index
    %swap3A_24 = vector.load %arg6[%swap3A, %swap3A_23] : memref<1000x128xf32, #tpu.memory_space<vmem>>, vector<1000x128xf32>
    tpu.vector_store %arg6[%swap3A, %swap3A_23], %mul3A_22 {strides = array<i32>} : memref<1000x128xf32, #tpu.memory_space<vmem>>, vector<1000x128xf32>,
    return
  }
  func.func @transform_0(%arg0: i32) -> (i32, i32) {
    %c0_i32 = arith.constant 0 : i32
    %c0_i32_0 = arith.constant 0 : i32
    return %arg0, %c0_i32 : i32, i32
  }
  func.func @transform_1(%arg0: i32) -> (i32, i32) {
    %c0_i32 = arith.constant 0 : i32
    %c0_i32_0 = arith.constant 0 : i32
    %c0_i32_1 = arith.constant 0 : i32
    return %c0_i32, %c0_i32_0 : i32, i32
  }
  func.func @transform_2(%arg0: i32) -> (i32, i32) {
    %c0_i32 = arith.constant 0 : i32
    %c0_i32_0 = arith.constant 0 : i32
    %c0_i32_1 = arith.constant 0 : i32
    return %c0_i32, %c0_i32_0 : i32, i32
  }
  func.func @transform_3(%arg0: i32) -> (i32, i32) {
    %c0_i32 = arith.constant 0 : i32
    %c0_i32_0 = arith.constant 0 : i32
    %c0_i32_1 = arith.constant 0 : i32
    return %c0_i32, %c0_i32_0 : i32, i32
  }
  func.func @transform_4(%arg0: i32) -> (i32, i32) {
    %c0_i32 = arith.constant 0 : i32
    %c0_i32_0 = arith.constant 0 : i32
    return %arg0, %c0_i32 : i32, i32
  }
  func.func @transform_5(%arg0: i32) -> (i32, i32) {
    %c0_i32 = arith.constant 0 : i32
    %c0_i32_0 = arith.constant 0 : i32
    return %arg0, %c0_i32 : i32, i32
  }
}

module attributes {stable_mosaic.version = 14 : i64} {
  func.func @body(%arg0: i32, %arg1: memref<2x1000x128xf32, #tpu.memory_space<vmem>>, %arg2: memref<1000x128xf32, #tpu.memory_space<vmem>>, %arg3: memref<1000x32xf32, #tpu.memory_space<vmem>>, %arg4: memref<1x128xf32, #tpu.memory_space<vmem>>, %arg5: memref<1000x128xf32, #tpu.memory_space<vmem>>) attributes {dimension_semantics = [#tpu.dimension_semantics<arbitrary>], iteration_bounds = array<i64: 10>, scalar_prefetch = 0 : i64, scratch_operands = 0 : i64, tpu.core_type = #tpu.core_type<tc>, window_params = [{transform_indices = @transform_0, window_bounds = array<i64: 2, 1000, 128>}, {transform_indices = @transform_1, window_bounds = array<i64: 1000, 128>}, {transform_indices = @transform_2, window_bounds = array<i64: 1000, 32>}, {pipeline_mode = #tpu.pipeline_mode<synchronous>, transform_indices = @transform_3, window_bounds = array<i64: 1, 128>}, {transform_indices = @transform_4, window_bounds = array<i64: 1000, 128>}]} {
    %get3A = arith.constant 0 : index
    %get3A_0 = arith.constant 0 : index
    %get3A_1 = vector.load %arg3[%get3A, %get3A_0] : memref<1000x32xf32, #tpu.memory_space<vmem>>, vector<1000x32xf32>
    %reduce_sum3A = arith.constant dense<0.000000e+00> : vector<1000xf32>
    %reduce_sum3A_2 = vector.multi_reduction <add>, %get3A_1, %reduce_sum3A [1] : vector<1000x32xf32> to vector<1000xf32>
    %broadcast_in_dim3A = vector.shape_cast %reduce_sum3A_2 : vector<1000xf32> to vector<1000x1xf32>
    %add3A = arith.constant 1.000000e+00 : f32
    %add3A_3 = vector.broadcast %add3A : f32 to vector<1000x1xf32>
    %add3A_4 = arith.addf %broadcast_in_dim3A, %add3A_3 : vector<1000x1xf32>
    %get3A_5 = arith.constant 0 : index
    %get3A_6 = arith.constant 0 : index
    %get3A_7 = arith.constant 0 : index
    %get3A_8 = vector.load %arg1[%get3A_5, %get3A_6, %get3A_7] : memref<2x1000x128xf32, #tpu.memory_space<vmem>>, vector<1x1000x128xf32>
    %get3A_9 = vector.shape_cast %get3A_8 : vector<1x1000x128xf32> to vector<1000x128xf32>
    %get3A_10 = arith.constant 1 : index
    %get3A_11 = arith.constant 0 : index
    %get3A_12 = arith.constant 0 : index
    %get3A_13 = vector.load %arg1[%get3A_10, %get3A_11, %get3A_12] : memref<2x1000x128xf32, #tpu.memory_space<vmem>>, vector<1x1000x128xf32>
    %get3A_14 = vector.shape_cast %get3A_13 : vector<1x1000x128xf32> to vector<1000x128xf32>
    %add3A_15 = arith.addf %get3A_9, %get3A_14 : vector<1000x128xf32>
    %get3A_16 = arith.constant 0 : index
    %get3A_17 = arith.constant 0 : index
    %get3A_18 = vector.load %arg2[%get3A_16, %get3A_17] : memref<1000x128xf32, #tpu.memory_space<vmem>>, vector<1000x128xf32>
    %add3A_19 = arith.addf %add3A_15, %get3A_18 : vector<1000x128xf32>
    %rsqrt3A = math.rsqrt %add3A_4 : vector<1000x1xf32>
    %mul3A = vector.broadcast %rsqrt3A : vector<1000x1xf32> to vector<1000x128xf32>
    %mul3A_20 = arith.mulf %mul3A, %add3A_19 : vector<1000x128xf32>
    %get3A_21 = arith.constant 0 : index
    %get3A_22 = arith.constant 0 : index
    %get3A_23 = vector.load %arg4[%get3A_21, %get3A_22] : memref<1x128xf32, #tpu.memory_space<vmem>>, vector<1x128xf32>
    %add3A_24 = vector.broadcast %get3A_23 : vector<1x128xf32> to vector<1000x128xf32>
    %add3A_25 = arith.addf %mul3A_20, %add3A_24 : vector<1000x128xf32>
    %swap3A = arith.constant 0 : index
    %swap3A_26 = arith.constant 0 : index
    %swap3A_27 = vector.load %arg5[%swap3A, %swap3A_26] : memref<1000x128xf32, #tpu.memory_space<vmem>>, vector<1000x128xf32>
    tpu.vector_store %arg5[%swap3A, %swap3A_26], %add3A_25 {strides = array<i32>} : memref<1000x128xf32, #tpu.memory_space<vmem>>, vector<1000x128xf32>,
    return
  }
  func.func @transform_0(%arg0: i32) -> (i32, i32, i32) {
    %c0_i32 = arith.constant 0 : i32
    %c0_i32_0 = arith.constant 0 : i32
    %c0_i32_1 = arith.constant 0 : i32
    return %c0_i32, %arg0, %c0_i32_0 : i32, i32, i32
  }
  func.func @transform_1(%arg0: i32) -> (i32, i32) {
    %c0_i32 = arith.constant 0 : i32
    %c0_i32_0 = arith.constant 0 : i32
    return %arg0, %c0_i32 : i32, i32
  }
  func.func @transform_2(%arg0: i32) -> (i32, i32) {
    %c0_i32 = arith.constant 0 : i32
    %c0_i32_0 = arith.constant 0 : i32
    return %arg0, %c0_i32 : i32, i32
  }
  func.func @transform_3(%arg0: i32) -> (i32, i32) {
    %c0_i32 = arith.constant 0 : i32
    %c0_i32_0 = arith.constant 0 : i32
    %c0_i32_1 = arith.constant 0 : i32
    return %c0_i32, %c0_i32_0 : i32, i32
  }
  func.func @transform_4(%arg0: i32) -> (i32, i32) {
    %c0_i32 = arith.constant 0 : i32
    %c0_i32_0 = arith.constant 0 : i32
    return %arg0, %c0_i32 : i32, i32
  }
}

</mosaic_0001>

<sc_bundles>
// kernel: kernel.10.cloned.1.call-start
scs
__scs_entry_jumppad:
0x0: {  	(pc) =	sbr.rel $0x88, $3  }
0x1: {  	(tag) =	ssettag $0x0;
	lr =	simm.s32 $0x1  }
0x2: {  	[smem:$0x3F9A] =	sst lr;
	_ =	strace $0xD0000000  }
0x3: {  	_ = 	snop  }
0x4: {  	_ = 	snop  }
0x5: {  	_ = 	snop  }
0x6: {  	_ = 	snop  }
0x7: {  	_ = 	snop  }
__scs_overlays_trampoline_lowered:
0x8: {  	[smem:$0x3FA9] =	sst s0  }
0x9: {  	[smem:$0x3FAA] =	sst s1  }
0xa: {  	[smem:$0x3FAB] =	sst s2  }
0xb: {  	[smem:$0x3FAC] =	sst s3  }
0xc: {  	[smem:$0x3FAD] =	sst s4  }
0xd: {  	[smem:$0x3FAE] =	sst s5  }
0xe: {  	[smem:$0x3FAF] =	sst s6  }
0xf: {  	[smem:$0x3FB0] =	sst s7  }
0x10: {  	[smem:$0x3FB1] =	sst s8  }
0x11: {  	[smem:$0x3FB2] =	sst s9;
	s0 =	simm.s32 @!p0 $0x0  }
0x12: {  	s1 =	sld [smem:$0x3F98];
	s0 =	simm.s32 @p0 $0x1  }
0x13: {  	[smem:$0x3FB3] =	sst s0;
	s0 =	simm.s32 @!p1 $0x0  }
0x14: {  	s2 =	sld [smem:$0x3F97];
	s0 =	simm.s32 @p1 $0x1  }
0x15: {  	[smem:$0x3FB4] =	sst s0;
	s0 =	simm.s32 @!p2 $0x0  }
0x16: {  	s3 =	sld [smem:$0x3FDB];
	s0 =	simm.s32 @p2 $0x1  }
0x17: {  	s4 =	simm.s32 $0x1BF5;
	[smem:$0x3FB6] =	sst s0  }
0x18: {  	s0 =	sld [smem:$0x3F99];
	_ =	swait.ge [sflag:s4], $0x0  }
0x19: {  	s7 =	sld [smem:$0x3F9A]  }
0x1a: {  	s8 =	sadd.s32 $0xFFFFE003, lr  }
0x1b: {  	s9 =	sadd.s32 $0xFFFFFEF7, lr;
	s5 =	simm.s32 $0xFFFFFFFF;
	p2 =	slt.u32 s8, $0xFFFFF086  }
0x1c: {  	p1 =	slt.u32 s9, $0xF7A;
	s5 =	simm.s32 @!p2 $0x0  }
0x1d: {  	s5 =	simm.s32 @p1 $0x1;
	p0 =	seq.s32 s7, s2  }
0x1e: {  	s7 =	smul.u32 @!p0 $0xF7A, s2;
	p2 =	seq.s32 @!p0 s5, $0x0  }
0x1f: {  	s9 =	smul.u32 $0xF7A, s1;
	s8 =	simm.s32 @!p0 $0x1BF5;
	p2 =	por !p2, p0  }
0x20: {  	[sflag:s8] =	ssyncset.s32 @!p0 $0xFFFFF086;
	s6 =	sadd.s32 @!p0 s3, s7;
	s7 =	simm.s32 @!p0 $0x108  }
0x21: {  	s3 =	sadd.s32 s3, s9;
	s6 =	sadd.s32 @!p0 $0x88, s6;
	s7 =	simm.s32 @p2 $0x1082  }
0x22: {  	[simem:s7], [sflag:s8] =	dma.local @!p0 [hbm:s6], $0xF7A  }
0x23: {  	s9 =	sor.u32 $0xD0000000, s2;
	s6 =	simm.s32 $0x108;
	_ =	swait.ge @!p0 [sflag:s8], $0x0  }
0x24: {  	s3 =	sadd.s32 $0x88, s3;
	s6 =	simm.s32 @!p1 $0x1082;
	[sflag:s4] =	ssyncset.s32 $0xFFFFF086  }
0x25: {  	[simem:s6], [sflag:s4] =	dma.local [hbm:s3], $0xF7A  }
0x26: {  	[smem:$0x3F9A] =	sst s1;
	(tag) =	ssettag s2;
	_ =	strace s9  }
0x27: {  	s1 =	sld [smem:$0x3FAA]  }
0x28: {  	s2 =	sld [smem:$0x3FAB]  }
0x29: {  	s4 =	sld [smem:$0x3FAD]  }
0x2a: {  	p0 =	seq.s32 s5, $0x0;
	s5 =	sld [smem:$0x3FAE]  }
0x2b: {  	s6 =	sld [smem:$0x3FAF]  }
0x2c: {  	s7 =	sld [smem:$0x3FB0]  }
0x2d: {  	s3 =	simm.s32 $0x108;
	s8 =	sld [smem:$0x3FB1]  }
0x2e: {  	s3 =	simm.s32 @!p0 $0x1082;
	s9 =	sld [smem:$0x3FB2]  }
0x2f: {  	lr =	sadd.s32 s0, s3;
	s0 =	sld [smem:$0x3FA9]  }
0x30: {  	s3 =	sld [smem:$0x3FAC]  }
0x31: {  	[smem:$0x3FB5] =	sst s10  }
0x32: {  	s10 =	sld [smem:$0x3FB3];
	_ =	sdelay $0x3  }
0x33: {  	p0 =	seq.s32 s10, $0x1;
	s10 =	sld [smem:$0x3FB5];
	_ =	sdelay $0x3  }
0x34: {  	[smem:$0x3FB5] =	sst s10  }
0x35: {  	s10 =	sld [smem:$0x3FB4];
	_ =	sdelay $0x3  }
0x36: {  	p1 =	seq.s32 s10, $0x1;
	s10 =	sld [smem:$0x3FB5];
	_ =	sdelay $0x3  }
0x37: {  	[smem:$0x3FB5] =	sst s10  }
0x38: {  	s10 =	sld [smem:$0x3FB6]  }
0x39: {  	_ = 	snop;
	(pc) =	sbr.ind lr, $3  }
0x3a: {  	_ = 	snop  }
0x3b: {  	_ = 	snop  }
0x3c: {  	p2 =	seq.s32 s10, $0x1;
	s10 =	sld [smem:$0x3FB5]  }
0x3d: {  	_ =	shalt  }
0x3e: {  	_ =	shalt  }
0x3f: {  	_ =	shalt  }
0x40: {  	_ =	shalt  }
0x41: {  	_ =	shalt  }
0x42: {  	_ =	shalt  }
0x43: {  	_ =	shalt  }
0x44: {  	_ =	shalt  }
0x45: {  	_ =	shalt  }
0x46: {  	_ =	shalt  }
0x47: {  	_ =	shalt  }
0x48: {  	_ =	shalt  }
0x49: {  	_ =	shalt  }
0x4a: {  	_ =	shalt  }
0x4b: {  	_ =	shalt  }
0x4c: {  	_ =	shalt  }
0x4d: {  	_ =	shalt  }
0x4e: {  	_ =	shalt  }
0x4f: {  	_ =	shalt  }
0x50: {  	_ =	shalt  }
0x51: {  	_ =	shalt  }
0x52: {  	_ =	shalt  }
0x53: {  	_ =	shalt  }
0x54: {  	_ =	shalt  }
0x55: {  	_ =	shalt  }
0x56: {  	_ =	shalt  }
0x57: {  	_ =	shalt  }
0x58: {  	_ =	shalt  }
0x59: {  	_ =	shalt  }
0x5a: {  	_ =	shalt  }
0x5b: {  	_ =	shalt  }
0x5c: {  	_ =	shalt  }
0x5d: {  	_ =	shalt  }
0x5e: {  	_ =	shalt  }
0x5f: {  	_ =	shalt  }
0x60: {  	_ =	shalt  }
0x61: {  	_ =	shalt  }
0x62: {  	_ =	shalt  }
0x63: {  	_ =	shalt  }
0x64: {  	_ =	shalt  }
0x65: {  	_ =	shalt  }
0x66: {  	_ =	shalt  }
0x67: {  	_ =	shalt  }
0x68: {  	_ =	shalt  }
0x69: {  	_ =	shalt  }
0x6a: {  	_ =	shalt  }
0x6b: {  	_ =	shalt  }
0x6c: {  	_ =	shalt  }
0x6d: {  	_ =	shalt  }
0x6e: {  	_ =	shalt  }
0x6f: {  	_ =	shalt  }
0x70: {  	_ =	shalt  }
0x71: {  	_ =	shalt  }
0x72: {  	_ =	shalt  }
0x73: {  	_ =	shalt  }
0x74: {  	_ =	shalt  }
0x75: {  	_ =	shalt  }
0x76: {  	_ =	shalt  }
0x77: {  	_ =	shalt  }
0x78: {  	_ =	shalt  }
0x79: {  	_ =	shalt  }
0x7a: {  	_ =	shalt  }
0x7b: {  	_ =	shalt  }
0x7c: {  	_ =	shalt  }
0x7d: {  	_ =	shalt  }
0x7e: {  	_ =	shalt  }
0x7f: {  	_ =	shalt  }
0x80: {  	_ =	shalt  }
0x81: {  	_ =	shalt  }
0x82: {  	_ =	shalt  }
0x83: {  	_ =	shalt  }
0x84: {  	_ =	shalt  }
0x85: {  	_ =	shalt  }
0x86: {  	_ =	shalt  }
0x87: {  	_ =	shalt  }
.Lfunc_end0:
.L_simem_size_0:
called_computation.1_lowered:
.L_overlay_start_0:
0x88: {  	s2 =	sld [smem:$0x3FD9]  }
0x89: {  	s3 =	sld [smem:$0x3FFE];
	_ =	sdelay $0x1  }
0x8a: {  	s1 =	srdreg.scid  }
0x8b: {  	s0 =	sand.u32 $0x1, s1  }
0x8c: {  	s17 =	sshll.u32 s0, $0xA;
	s2 =	sadd.s32 s3, s2  }
0x8d: {  	s2 =	sadd.s32 s2, s17  }
0x8e: {  	[smem:$0x3FC1] =	sst s2  }
0x8f: {  	_ = 	snop  }
0x90: {  	s2 =	sld [smem:$0x3FD0];
	(tm) =	ssettm $0x1  }
0x91: {  	s18 =	sld [smem:$0x3FFB];
	_ =	sdelay $0x3  }
0x92: {  	_ =	strace s18  }
0x93: {  	s3 =	sld [smem:$0x3FFC];
	_ =	sdelay $0x3  }
0x94: {  	_ =	strace s3  }
0x95: {  	s3 =	sld [smem:$0x3FFD];
	_ =	sdelay $0x3  }
0x96: {  	_ =	strace s3  }
0x97: {  	_ =	strace $0x8FFFFFFF  }
0x98: {  	s19 =	sld [smem:$0x3FDB];
	_ =	sdelay $0x1  }
0x99: {  	s4 =	simm.s32 $_scs_section_size  }
0x9a: {  	s5 =	simm.s32 $_size__tile_overlayer_lowered;
	s6 =	simm.s32 $_tile_overlayer_lowered  }
0x9b: {  	s22 =	simm.s32 $0x1BFF;
	s21 =	sshll.u32 s6, $0x1;
	s3 =	sadd.s32 s4, s19  }
0x9c: {  	s7 =	simm.s32 $0x0;
	s20 =	sshll.u32 s5, $0x1;
	s5 =	sadd.s32 s21, s3  }
0x9d: {  	[timem:s7], [sflag:s22] =	dma.local [hbm:s5], s20  }
0x9e: {  	_ =	swait.ge [sflag:s22], s20  }
0x9f: {  	s4 =	ssub.s32 $0x0, s20;
	[sflag:s22] =	ssyncset.done $0x0  }
0xa0: {  	[sflag:s22] =	ssyncadd.s32 s4;
	_ =	sdelay $0x1  }
0xa1: {  	s23 =	simm.s32 $0x1B8B  }
0xa2: {  	_ =	swait.ge [sflag:s23], $0x1  }
0xa3: {  	[sflag:s23] =	ssyncset.done $0x0  }
0xa4: {  	s25 =	simm.s32 $0x1B8E;
	s24 =	sld [smem:$0x3FFE];
	[sflag:s23] =	ssyncadd.s32 $0xFFFFFFFF  }
0xa5: {  	s26 =	simm.s32 $execute0_lowered;
	[smem:$0x3FD2] =	sst s25  }
0xa6: {  	s5 =	sshll.u32 s26, $0x1;
	_ =	strace $0x80000049;
	[dreg:$0x1] =	wrdreg $0xFFFFFFFF  }
0xa7: {  	s28 =	simm.s32 $_size_execute0_lowered;
	s3 =	sadd.s32 s3, s5;
	[dreg:$0x0] =	wrdreg $0x0  }
0xa8: {  	s5 =	sshll.u32 s28, $0x1;
	[dreg:$0x2] =	wrdreg s3  }
0xa9: {  	[dreg:$0x3] =	wrdreg s5  }
0xaa: {  	[dreg:$0x4] =	wrdreg $0xC0  }
0xab: {  	_ =	task [dreg:s7], $0x5FFFF  }
0xac: {  	[dreg:$0x1] =	wrdreg $0xFFFFFFFF  }
0xad: {  	[dreg:$0x0] =	wrdreg $0x60  }
0xae: {  	[dreg:$0x2] =	wrdreg s24  }
0xaf: {  	[dreg:$0x3] =	wrdreg s2  }
0xb0: {  	[dreg:$0x4] =	wrdreg $0xB3000  }
0xb1: {  	[dreg:$0x5] =	wrdreg $0x9  }
0xb2: {  	_ =	task.clear_ibuf [dreg:s7], $0x6FFFF;
	_ =	strace $0x90000049  }
0xb3: {  	s29 =	simm.s32 $0x9;
	_ =	strace $0x8000004B  }
0xb4: {  	_ =	swait.ge [sflag:s29], $0x1  }
0xb5: {  	[sflag:s29] =	ssyncadd.s32 $0xFFFFFFFF  }
0xb6: {  	_ =	strace $0x9000004B  }
0xb7: {  	_ =	sfence  }
0xb8: {  	s30 =	sld [smem:$0x0];
	_ =	sdelay $0x2  }
0xb9: {  	s31 =	sshll.u32 s1, $0xD;
	s1 =	sshrl.u32 s1, $0x2  }
0xba: {  	s3 =	sand.u32 $0x4000, s31;
	s1 =	sadd.s32 s1, s30  }
0xbb: {  	s0 =	sor.u32 s3, s0;
	s1 =	sshll.u32 s1, $0x11  }
0xbc: {  	s0 =	sor.u32 s1, s0  }
0xbd: {  	s0 =	sadd.s32 $0x8F2B, s0  }
0xbe: {  	[sflag:s0] =	ssyncadd.remote.s32 $0x1  }
0xbf: {  	_ =	sfence.sel $0xFFFF  }
0xc0: {  	[dreg:$0x0] =	wrdreg $0xFFFFFFFF;
	(pc) =	sbr.abs _section_cstart, $3  }
0xc1: {  	[dreg:$0x1] =	wrdreg $0xFFFFFFFF  }
0xc2: {  	_ =	task.clear_ibuf [dreg:s7], $0x2FFFF;
	_ =	strace $0x9FFFFFFF  }
0xc3: {  	(tm) =	ssettm $0x7FFFFFFF  }
tec
execute0_lowered:
.L_overlay_start_1:
0x0: {  	(tag) =	ssettag $0x1  }
0x1: {  	s0 =	rddreg [dreg:$0x0]  }
0x2: {  	s2 =	rddreg [dreg:$0x1]  }
0x3: {  	s1 =	rddreg [dreg:$0x2];
	s9 =	stileid.u32  }
0x4: {  	s3 =	srdreg.scid;
	s8 =	smul.u32 $0x14000, s9  }
0x5: {  	s5 =	sand.u32 $0x1, s3;
	s7 =	sshll.u32 s9, $0x1;
	s9 =	smul.u32 $0x50000, s9  }
0x6: {  	s3 =	simm.s32 $0x0;
	s6 =	smul.u32 $0x140000, s5;
	s7 =	sor.u32 s5, s7  }
0x7: {  	[smem:$0x7FF] =	sst s3;
	s5 =	ssub.s32 $0x2, s5;
	s7 =	smul.u32 $0x4E2, s7  }
0x8: {  	_ =	strace $0x8000004A;
	s30 =	sshrl.u32 s5, $0x1;
	s11 =	sshrl.u32 s9, $0x2  }
0x9: {  	s6 =	sadd.s32 s8, s6;
	s5 =	ssub.s32 s5, s30;
	s2 =	sadd.s32 s2, s7  }
0xa: {  	s8 =	sadd.s32 s11, s1;
	s12 =	smax.u32 s5, $0x1;
	[dreg:$0x4] =	wrdreg s2  }
0xb: {  	s13 =	sadd.s32 $0x1400, s8;
	[dreg:$0x7] =	wrdreg s12  }
0xc: {  	s14 =	sadd.s32 $0x2800, s8;
	[dreg:$0x8] =	wrdreg s13  }
0xd: {  	s15 =	sadd.s32 $0x3C00, s8;
	[dreg:$0x9] =	wrdreg s14  }
0xe: {  	s28 =	simm.s32 $0x4F00;
	s16 =	sadd.s32 $0x5000, s8;
	[dreg:$0xa] =	wrdreg s15  }
0xf: {  	s29 =	simm.s32 $0x28;
	s17 =	sadd.s32 $0x6400, s8;
	[dreg:$0xb] =	wrdreg s16  }
0x10: {  	s31 =	simm.s32 $0x1;
	s18 =	sadd.s32 $0x7800, s8;
	[dreg:$0xc] =	wrdreg s17  }
0x11: {  	s4 =	sadd.s32 $0xB600, s0;
	s19 =	sadd.s32 $0x8C00, s8;
	[dreg:$0xd] =	wrdreg s18  }
0x12: {  	s9 =	simm.s32 $0x3;
	s20 =	sadd.s32 $0xA000, s8;
	[dreg:$0xe] =	wrdreg s19  }
0x13: {  	s11 =	simm.s32 $0x4;
	s21 =	sadd.s32 $0xB400, s8;
	[dreg:$0xf] =	wrdreg s20  }
0x14: {  	s6 =	sshrl.u32 s6, $0x3;
	s22 =	sadd.s32 $0xC800, s8;
	[dreg:$0x10] =	wrdreg s21  }
0x15: {  	s10 =	sadd.s32 s7, s0;
	s23 =	sadd.s32 $0xDC00, s8;
	[dreg:$0x11] =	wrdreg s22  }
0x16: {  	s24 =	sadd.s32 $0xF000, s8;
	s25 =	sadd.s32 $0x10400, s8;
	[dreg:$0x12] =	wrdreg s23  }
0x17: {  	s26 =	sadd.s32 $0x11800, s8;
	s30 =	sadd.s32 $0x12C00, s8;
	[dreg:$0x13] =	wrdreg s24  }
0x18: {  	s5 =	simm.s32 $0x6;
	s7 =	simm.s32 $0x7;
	[dreg:$0x14] =	wrdreg s25  }
0x19: {  	s0 =	sadd.s32 s6, s0;
	s10 =	sadd.s32 $0x1800, s10;
	[dreg:$0x15] =	wrdreg s26  }
0x1a: {  	[dreg:$0x16] =	wrdreg s30;
	s25 =	simm.s32 $0xB;
	s20 =	simm.s32 $0x6300  }
0x1b: {  	s21 =	simm.s32 $0x7700;
	s22 =	simm.s32 $0x8B00;
	s2 =	simm.s32 $0x9F00  }
0x1c: {  	s6 =	simm.s32 $0x2;
	s12 =	simm.s32 $0x9;
	s13 =	simm.s32 $0x5  }
0x1d: {  	s14 =	simm.s32 $0xA;
	[dreg:$0x5] =	wrdreg s10;
	s0 =	sadd.s32 $0x32800, s0  }
0x1e: {  	v0 =	vimm.f32 $0.0e+00;
	s15 =	simm.s32 $0x0;
	s10 =	simm.s32 $0x8;
	[dreg:$0x6] =	wrdreg s0  }
.LBB2_1:
0x1f: {  	s0 =	rddreg [dreg:$0x4]  }
0x20: {  	[tilespmem:s3], [sflag:$0xB] =	stream.linear.gather [hbm4b:s0+s3], $0x2710, $0x38;
	[tilespmem:$0x1F300] =	vst v63  }
0x21: {  	_ =	swait.ge [sflag:s25], $0x2710  }
0x22: {  	s16 =	simm.s32 $0x2780;
	[sflag:s25] =	ssyncset.done $0x0  }
0x23: {  	s30 =	sand.u32 $0x7E00, s3;
	s26 =	rddreg [dreg:$0x5];
	[sflag:s25] =	ssyncadd.s32 $0xFFFFD8F0  }
0x24: {  	[tilespmem:s16], [sflag:$0xB] =	stream.linear.gather [hbm4b:s26+s3], $0x2710, $0x38;
	[tilespmem:$0x1F300] =	vst v63  }
0x25: {  	s17 =	sand.u32 $0x70, s3;
	s18 =	sshrl.u32 s30, $0x2;
	_ =	swait.ge [sflag:s25], $0x2710  }
0x26: {  	s18 =	sor.u32 s17, s18;
	[sflag:s25] =	ssyncset.done $0x0  }
0x27: {  	s17 =	simm.s32 $0x0;
	s16 =	simm.s32 $0x40;
	[sflag:s25] =	ssyncadd.s32 $0xFFFFD8F0  }
.LBB2_2:
0x28: {  	p0 =	sne.s32 s16, $0x4FC0  }
0x29: {  	[tilespmem:s18+$0x4F00] =	vst v0;
	s17 =	sadd.s32 $0x10, s17;
	s18 =	smov.u32 s16;
	s16 =	sadd.s32 $0x40, s16  }
.Ltmp0:
0x2a: {  	(pc) =	sbr.rel @p0 .LBB2_2-.Ltmp0, $4  }
0x2b: {  	_ = 	snop  }
0x2c: {  	s18 =	sand.u32 $0x7E00, s18  }
0x2d: {  	s19 =	sand.u32 $0x70, s17;
	s18 =	sshrl.u32 s18, $0x2  }
0x2e: {  	s18 =	sor.u32 s19, s18  }
0x2f: {  	[tilespmem:s18+$0x4F00] =	vst v0  }
0x30: {  	[spmem:s8] =	stream.linear.scatter [tilespmem:s28], [sflag:$0xB], $0x1400, $0x38;
	[tilespmem:$0x1F300] =	vst v63  }
0x31: {  	_ =	swait.ge [sflag:s25], $0x1400  }
0x32: {  	[sflag:s25] =	ssyncset.done $0x0  }
0x33: {  	s0 =	rddreg [dreg:$0x8];
	[sflag:s25] =	ssyncadd.s32 $0xFFFFEC00  }
0x34: {  	[spmem:s0] =	stream.linear.scatter [tilespmem:s28], [sflag:$0xB], $0x1400, $0x38;
	[tilespmem:$0x1F300] =	vst v63  }
0x35: {  	_ =	swait.ge [sflag:s25], $0x1400  }
0x36: {  	[sflag:s25] =	ssyncset.done $0x0  }
0x37: {  	s26 =	rddreg [dreg:$0x9];
	[sflag:s25] =	ssyncadd.s32 $0xFFFFEC00  }
0x38: {  	[spmem:s26] =	stream.linear.scatter [tilespmem:s28], [sflag:$0xB], $0x1400, $0x38;
	[tilespmem:$0x1F300] =	vst v63  }
0x39: {  	_ =	swait.ge [sflag:s25], $0x1400  }
0x3a: {  	[sflag:s25] =	ssyncset.done $0x0  }
0x3b: {  	s30 =	rddreg [dreg:$0xa];
	[sflag:s25] =	ssyncadd.s32 $0xFFFFEC00  }
0x3c: {  	[spmem:s30] =	stream.linear.scatter [tilespmem:s28], [sflag:$0xB], $0x1400, $0x38;
	[tilespmem:$0x1F300] =	vst v63  }
0x3d: {  	_ =	swait.ge [sflag:s25], $0x1400  }
0x3e: {  	[sflag:s25] =	ssyncset.done $0x0  }
0x3f: {  	s16 =	rddreg [dreg:$0xb];
	[sflag:s25] =	ssyncadd.s32 $0xFFFFEC00  }
0x40: {  	[spmem:s16] =	stream.linear.scatter [tilespmem:s28], [sflag:$0xB], $0x1400, $0x38;
	[tilespmem:$0x1F300] =	vst v63  }
0x41: {  	_ =	swait.ge [sflag:s25], $0x1400  }
0x42: {  	[sflag:s25] =	ssyncset.done $0x0  }
0x43: {  	s17 =	rddreg [dreg:$0xc];
	[sflag:s25] =	ssyncadd.s32 $0xFFFFEC00  }
0x44: {  	[spmem:s17] =	stream.linear.scatter [tilespmem:s28], [sflag:$0xB], $0x1400, $0x38;
	[tilespmem:$0x1F300] =	vst v63  }
0x45: {  	_ =	swait.ge [sflag:s25], $0x1400  }
0x46: {  	[sflag:s25] =	ssyncset.done $0x0  }
0x47: {  	s18 =	rddreg [dreg:$0xd];
	[sflag:s25] =	ssyncadd.s32 $0xFFFFEC00  }
0x48: {  	[spmem:s18] =	stream.linear.scatter [tilespmem:s28], [sflag:$0xB], $0x1400, $0x38;
	[tilespmem:$0x1F300] =	vst v63  }
0x49: {  	_ =	swait.ge [sflag:s25], $0x1400  }
0x4a: {  	[sflag:s25] =	ssyncset.done $0x0  }
0x4b: {  	s19 =	rddreg [dreg:$0xe];
	[sflag:s25] =	ssyncadd.s32 $0xFFFFEC00  }
0x4c: {  	[spmem:s19] =	stream.linear.scatter [tilespmem:s28], [sflag:$0xB], $0x1400, $0x38;
	[tilespmem:$0x1F300] =	vst v63  }
0x4d: {  	_ =	swait.ge [sflag:s25], $0x1400  }
0x4e: {  	[sflag:s25] =	ssyncset.done $0x0  }
0x4f: {  	s23 =	rddreg [dreg:$0xf];
	[sflag:s25] =	ssyncadd.s32 $0xFFFFEC00  }
0x50: {  	[spmem:s23] =	stream.linear.scatter [tilespmem:s28], [sflag:$0xB], $0x1400, $0x38;
	[tilespmem:$0x1F300] =	vst v63  }
0x51: {  	_ =	swait.ge [sflag:s25], $0x1400  }
0x52: {  	[sflag:s25] =	ssyncset.done $0x0  }
0x53: {  	s24 =	rddreg [dreg:$0x10];
	[sflag:s25] =	ssyncadd.s32 $0xFFFFEC00  }
0x54: {  	[spmem:s24] =	stream.linear.scatter [tilespmem:s28], [sflag:$0xB], $0x1400, $0x38;
	[tilespmem:$0x1F300] =	vst v63  }
0x55: {  	_ =	swait.ge [sflag:s25], $0x1400  }
0x56: {  	[sflag:s25] =	ssyncset.done $0x0  }
0x57: {  	s26 =	rddreg [dreg:$0x11];
	[sflag:s25] =	ssyncadd.s32 $0xFFFFEC00  }
0x58: {  	[spmem:s26] =	stream.linear.scatter [tilespmem:s28], [sflag:$0xB], $0x1400, $0x38;
	[tilespmem:$0x1F300] =	vst v63  }
0x59: {  	_ =	swait.ge [sflag:s25], $0x1400  }
0x5a: {  	[sflag:s25] =	ssyncset.done $0x0  }
0x5b: {  	s30 =	rddreg [dreg:$0x12];
	[sflag:s25] =	ssyncadd.s32 $0xFFFFEC00  }
0x5c: {  	[spmem:s30] =	stream.linear.scatter [tilespmem:s28], [sflag:$0xB], $0x1400, $0x38;
	[tilespmem:$0x1F300] =	vst v63  }
0x5d: {  	_ =	swait.ge [sflag:s25], $0x1400  }
0x5e: {  	[sflag:s25] =	ssyncset.done $0x0  }
0x5f: {  	s16 =	rddreg [dreg:$0x13];
	[sflag:s25] =	ssyncadd.s32 $0xFFFFEC00  }
0x60: {  	[spmem:s16] =	stream.linear.scatter [tilespmem:s28], [sflag:$0xB], $0x1400, $0x38;
	[tilespmem:$0x1F300] =	vst v63  }
0x61: {  	_ =	swait.ge [sflag:s25], $0x1400  }
0x62: {  	[sflag:s25] =	ssyncset.done $0x0  }
0x63: {  	s17 =	rddreg [dreg:$0x14];
	[sflag:s25] =	ssyncadd.s32 $0xFFFFEC00  }
0x64: {  	[spmem:s17] =	stream.linear.scatter [tilespmem:s28], [sflag:$0xB], $0x1400, $0x38;
	[tilespmem:$0x1F300] =	vst v63  }
0x65: {  	_ =	swait.ge [sflag:s25], $0x1400  }
0x66: {  	[sflag:s25] =	ssyncset.done $0x0  }
0x67: {  	s18 =	rddreg [dreg:$0x15];
	[sflag:s25] =	ssyncadd.s32 $0xFFFFEC00  }
0x68: {  	[spmem:s18] =	stream.linear.scatter [tilespmem:s28], [sflag:$0xB], $0x1400, $0x38;
	[tilespmem:$0x1F300] =	vst v63  }
0x69: {  	_ =	swait.ge [sflag:s25], $0x1400  }
0x6a: {  	[sflag:s25] =	ssyncset.done $0x0  }
0x6b: {  	s19 =	rddreg [dreg:$0x16];
	[sflag:s25] =	ssyncadd.s32 $0xFFFFEC00  }
0x6c: {  	[spmem:s19] =	stream.linear.scatter [tilespmem:s28], [sflag:$0xB], $0x1400, $0x38;
	[tilespmem:$0x1F300] =	vst v63  }
0x6d: {  	_ =	swait.ge [sflag:s25], $0x1400  }
0x6e: {  	[sflag:s25] =	ssyncset.done $0x0  }
0x6f: {  	[sflag:s25] =	ssyncadd.s32 $0xFFFFEC00  }
0x70: {  	s16 =	simm.s32 $0x0;
	[bflag:$0x0] =	sbarrier.arrive $0xFFFF  }
0x71: {  	[tilespmem:s28], [sflag:$0x1] =	stream.indirect.gather [hbm4b:s4+s29], $0x80, s16, s29, $0xb8;
	[tilespmem:$0x1F300] =	vst v63  }
0x72: {  	s16 =	smul.u32 $0xCD, s16  }
0x73: {  	[tilespmem:s20], [sflag:$0x2] =	stream.indirect.gather [hbm4b:s4+s29], $0x80, s29, s29, $0xb8;
	[tilespmem:$0x1F300] =	vst v63  }
0x74: {  	s16 =	sshrl.u32 s16, $0xA  }
0x75: {  	s20 =	simm.s32 $0x50;
	s16 =	sand.u32 $0x3F, s16  }
0x76: {  	[tilespmem:s21], [sflag:$0x3] =	stream.indirect.gather [hbm4b:s4+s29], $0x80, s20, s29, $0xb8;
	[tilespmem:$0x1F300] =	vst v63  }
0x77: {  	s21 =	simm.s32 $0x78;
	s16 =	smul.u32 $0x5, s16  }
0x78: {  	[tilespmem:s22], [sflag:$0x4] =	stream.indirect.gather [hbm4b:s4+s29], $0x80, s21, s29, $0xb8;
	[tilespmem:$0x1F300] =	vst v63  }
0x79: {  	s16 =	ssub.s32 $0x0, s16  }
0x7a: {  	s22 =	simm.s32 $0xA0;
	s17 =	sand.u32 $0xFF, s16  }
0x7b: {  	[tilespmem:s2], [sflag:$0x5] =	stream.indirect.gather [hbm4b:s4+s29], $0x80, s22, s29, $0xb8;
	[tilespmem:$0x1F300] =	vst v63  }
0x7c: {  	s16 =	simm.s32 $0x1;
	s23 =	smul.u32 $0x5000, s17  }
0x7d: {  	s19 =	sadd.s32 $0x1, s17;
	s24 =	smul.u32 $0xCD, s16  }
0x7e: {  	s22 =	sadd.s32 $0x6, s17;
	_ =	swait.ge [sflag:s19], $0x1400;
	s18 =	sshrl.u32 s23, $0x2  }
0x7f: {  	s23 =	simm.s32 $0x2780;
	[sflag:s19] =	ssyncset.done $0x0;
	s26 =	sshrl.u32 s24, $0xA  }
0x80: {  	s20 =	sadd.s32 $0x4F00, s18;
	[sflag:s19] =	ssyncadd.s32 $0xFFFFEC00;
	s30 =	sand.u32 $0x3F, s26  }
0x81: {  	[spmem:s1] =	stream.indirect.scatter.add.f32 [tilespmem:s20], [sflag:s22], $0x80, s23, s29, $0xb8;
	[tilespmem:$0x1F300] =	vst v63  }
0x82: {  	s21 =	simm.s32 $0xC8;
	s23 =	smul.u32 $0x5, s30  }
0x83: {  	s17 =	simm.s32 $0xF0;
	s24 =	simm.s32 $0x2;
	s18 =	simm.s32 $0x27A8  }
.LBB2_4:
0x84: {  	s23 =	ssub.s32 s16, s23;
	_ =	swait.ge [sflag:s22], $0x1400;
	s16 =	smov.u32 s24  }
0x85: {  	s30 =	sadd.s32 $0x1, s24;
	s0 =	smov.u32 s18;
	p0 =	sne.s32 s24, $0xF4  }
0x86: {  	s18 =	sadd.s32 $0x28, s18;
	s23 =	sand.u32 $0xFF, s23;
	[sflag:s22] =	ssyncset.done $0x0  }
0x87: {  	s24 =	sadd.s32 $0x1, s23;
	s26 =	smul.u32 $0x5000, s23;
	[sflag:s22] =	ssyncadd.s32 $0xFFFFEC00  }
0x88: {  	[tilespmem:s20], [sflag:s19] =	stream.indirect.gather [hbm4b:s4+s29], $0x80, s21, s29, $0xb8;
	[tilespmem:$0x1F300] =	vst v63  }
0x89: {  	s22 =	smul.u32 $0xCD, s16;
	s19 =	smov.u32 s24;
	s20 =	sshrl.u32 s26, $0x2  }
.Ltmp1:
0x8a: {  	s21 =	smov.u32 s17;
	s20 =	sadd.s32 $0x4F00, s20;
	(pc) =	sbr.rel @p0 .LBB2_4-.Ltmp1, $4  }
0x8b: {  	s17 =	sadd.s32 $0x28, s17;
	s22 =	sshrl.u32 s22, $0xA;
	_ =	swait.ge [sflag:s19], $0x1400  }
0x8c: {  	s24 =	sand.u32 $0x3F, s22;
	s22 =	sadd.s32 $0x6, s23;
	[sflag:s19] =	ssyncset.done $0x0  }
0x8d: {  	s23 =	smul.u32 $0x5, s24;
	s24 =	smov.u32 s30;
	[sflag:s19] =	ssyncadd.s32 $0xFFFFEC00  }
0x8e: {  	[spmem:s1] =	stream.indirect.scatter.add.f32 [tilespmem:s20], [sflag:s22], $0x80, s0, s29, $0xb8;
	[tilespmem:$0x1F300] =	vst v63  }
0x8f: {  	_ =	swait.ge [sflag:s22], $0x1400;
	s0 =	ssub.s32 s16, s23  }
0x90: {  	[sflag:s22] =	ssyncset.done $0x0;
	s0 =	sand.u32 $0xFF, s0  }
0x91: {  	[sflag:s22] =	ssyncadd.s32 $0xFFFFEC00;
	s24 =	sadd.s32 $0x1, s0;
	s26 =	smul.u32 $0x5000, s0  }
0x92: {  	[tilespmem:s20], [sflag:s19] =	stream.indirect.gather [hbm4b:s4+s29], $0x80, s21, s29, $0xb8;
	[tilespmem:$0x1F300] =	vst v63  }
0x93: {  	_ =	swait.ge [sflag:s24], $0x1400  }
0x94: {  	s19 =	sshrl.u32 s26, $0x2;
	[sflag:s24] =	ssyncset.done $0x0  }
0x95: {  	s0 =	sadd.s32 $0x6, s0;
	s19 =	sadd.s32 $0x4F00, s19;
	[sflag:s24] =	ssyncadd.s32 $0xFFFFEC00  }
0x96: {  	[spmem:s1] =	stream.indirect.scatter.add.f32 [tilespmem:s19], [sflag:s0], $0x80, s18, s29, $0xb8;
	[tilespmem:$0x1F300] =	vst v63  }
0x97: {  	_ =	swait.ge [sflag:s0], $0x1400  }
0x98: {  	[sflag:s0] =	ssyncset.done $0x0  }
0x99: {  	[sflag:s0] =	ssyncadd.s32 $0xFFFFEC00  }
0x9a: {  	[tilespmem:s19], [sflag:s24] =	stream.indirect.gather [hbm4b:s4+s29], $0x80, s17, s29, $0xb8;
	[tilespmem:$0x1F300] =	vst v63  }
0x9b: {  	_ =	swait.ge [sflag:s31], $0x1400  }
0x9c: {  	[sflag:s31] =	ssyncset.done $0x0  }
0x9d: {  	s30 =	simm.s32 $0x4DC8;
	[sflag:s31] =	ssyncadd.s32 $0xFFFFEC00  }
0x9e: {  	[spmem:s1] =	stream.indirect.scatter.add.f32 [tilespmem:s28], [sflag:$0x6], $0x80, s30, s29, $0xb8;
	[tilespmem:$0x1F300] =	vst v63  }
0x9f: {  	_ =	swait.ge [sflag:s5], $0x1400  }
0xa0: {  	[sflag:s5] =	ssyncset.done $0x0  }
0xa1: {  	[sflag:s5] =	ssyncadd.s32 $0xFFFFEC00  }
0xa2: {  	_ =	swait.ge [sflag:s6], $0x1400  }
0xa3: {  	[sflag:s6] =	ssyncset.done $0x0  }
0xa4: {  	s16 =	simm.s32 $0x4DF0;
	s20 =	simm.s32 $0x6300;
	[sflag:s6] =	ssyncadd.s32 $0xFFFFEC00  }
0xa5: {  	[spmem:s1] =	stream.indirect.scatter.add.f32 [tilespmem:s20], [sflag:$0x7], $0x80, s16, s29, $0xb8;
	[tilespmem:$0x1F300] =	vst v63  }
0xa6: {  	_ =	swait.ge [sflag:s7], $0x1400  }
0xa7: {  	[sflag:s7] =	ssyncset.done $0x0  }
0xa8: {  	[sflag:s7] =	ssyncadd.s32 $0xFFFFEC00  }
0xa9: {  	_ =	swait.ge [sflag:s9], $0x1400  }
0xaa: {  	[sflag:s9] =	ssyncset.done $0x0  }
0xab: {  	s21 =	simm.s32 $0x7700;
	s17 =	simm.s32 $0x4E18;
	[sflag:s9] =	ssyncadd.s32 $0xFFFFEC00  }
0xac: {  	[spmem:s1] =	stream.indirect.scatter.add.f32 [tilespmem:s21], [sflag:$0x8], $0x80, s17, s29, $0xb8;
	[tilespmem:$0x1F300] =	vst v63  }
0xad: {  	_ =	swait.ge [sflag:s10], $0x1400  }
0xae: {  	[sflag:s10] =	ssyncset.done $0x0  }
0xaf: {  	[sflag:s10] =	ssyncadd.s32 $0xFFFFEC00  }
0xb0: {  	_ =	swait.ge [sflag:s11], $0x1400  }
0xb1: {  	[sflag:s11] =	ssyncset.done $0x0  }
0xb2: {  	s22 =	simm.s32 $0x8B00;
	s18 =	simm.s32 $0x4E40;
	[sflag:s11] =	ssyncadd.s32 $0xFFFFEC00  }
0xb3: {  	[spmem:s1] =	stream.indirect.scatter.add.f32 [tilespmem:s22], [sflag:$0x9], $0x80, s18, s29, $0xb8;
	[tilespmem:$0x1F300] =	vst v63  }
0xb4: {  	_ =	swait.ge [sflag:s12], $0x1400  }
0xb5: {  	[sflag:s12] =	ssyncset.done $0x0  }
0xb6: {  	[sflag:s12] =	ssyncadd.s32 $0xFFFFEC00  }
0xb7: {  	_ =	swait.ge [sflag:s13], $0x1400  }
0xb8: {  	[sflag:s13] =	ssyncset.done $0x0  }
0xb9: {  	s19 =	simm.s32 $0x4E68;
	[sflag:s13] =	ssyncadd.s32 $0xFFFFEC00  }
0xba: {  	[spmem:s1] =	stream.indirect.scatter.add.f32 [tilespmem:s2], [sflag:$0xA], $0x80, s19, s29, $0xb8;
	[tilespmem:$0x1F300] =	vst v63  }
0xbb: {  	_ =	swait.ge [sflag:s14], $0x1400  }
0xbc: {  	[sflag:s14] =	ssyncset.done $0x0  }
0xbd: {  	s23 =	stileid.u32;
	[sflag:s14] =	ssyncadd.s32 $0xFFFFEC00  }
0xbe: {  	s0 =	sshll.u32 s23, $0x6;
	[bflag:$0x0] =	sbarrier.arrive $0xFFFF  }
0xbf: {  	s0 =	sor.u32 $0x1C0B, s0;
	s24 =	sshrl.u32 s8, $0x3;
	s26 =	rddreg [dreg:$0x6]  }
0xc0: {  	[hbm:s26], [sflag:s0] =	dma.local [spmem:s24], $0x2800  }
0xc1: {  	_ =	swait.ge [sflag:s25], $0x2800  }
0xc2: {  	s15 =	sadd.s32 $0x1, s15;
	s30 =	rddreg [dreg:$0x7]  }
0xc3: {  	p0 =	sne.s32 s15, s30  }
.Ltmp2:
0xc4: {  	_ = 	snop;
	(pc) =	sbr.rel @p0 .LBB2_1-.Ltmp2, $3  }
0xc5: {  	_ =	sdelay $0x1  }
0xc6: {  	[sflag:s25] =	ssyncset.done $0x0  }
0xc7: {  	[sflag:s25] =	ssyncadd.s32 $0xFFFFD800  }
0xc8: {  	_ =	sfence.sel $0x180000  }
0xc9: {  	[bflag:$0x0] =	sbarrier.arrive $0xFFFF  }
0xca: {  	_ =	strace $0x9000004A  }
0xcb: {  	s0 =	stileid.u32;
	[bflag:$0x2] =	sbarrier.arrive $0xFFFF  }
0xcc: {  	p0 =	sne.s32 s0, $0x0;
	s0 =	rddreg [dreg:$0x3]  }
0xcd: {  	s0 =	sadd.s32 @!p0 $0x100000, s0  }
0xce: {  	[sflag:s0] =	ssyncadd.tile.s32 @!p0 $0x1;
	_ =	shalt  }
.Lfunc_end2:
_tile_overlayer_lowered:
.L_overlay_start_2:
0xcf: {  	(tag) =	ssettag $0x2  }
0xd0: {  	s0 =	rddreg [dreg:$0x0];
	s2 =	stileid.u32  }
0xd1: {  	s1 =	rddreg [dreg:$0x1];
	p0 =	sne.s32 s2, $0x0  }
0xd2: {  	s3 =	rddreg [dreg:$0x2];
	[bflag:$0x3] =	sbarrier.arrive $0xFFFF;
	s2 =	simm.s32 @!p0 $0x1C0B  }
0xd3: {  	[timem:s3], [sflag:s2] =	dma.local @!p0 [hbm:s0], s1  }
0xd4: {  	s0 =	simm.s32 @!p0 $0xB  }
0xd5: {  	_ =	swait.ge @!p0 [sflag:s0], s1  }
0xd6: {  	s1 =	ssub.s32 @!p0 $0x0, s1;
	[sflag:s0] =	ssyncset.done @!p0 $0x0  }
0xd7: {  	[sflag:s0] =	ssyncadd.s32 @!p0 s1  }
0xd8: {  	[bflag:$0x3] =	sbarrier.arrive $0xFFFF  }
0xd9: {  	_ =	shalt  }

// kernel: kernel.13.cloned.1.call-start
scs
__scs_entry_jumppad:
0x0: {  	(pc) =	sbr.rel $0x88, $3  }
0x1: {  	(tag) =	ssettag $0x0;
	lr =	simm.s32 $0x1  }
0x2: {  	[smem:$0x3F9A] =	sst lr;
	_ =	strace $0xD0000000  }
0x3: {  	_ = 	snop  }
0x4: {  	_ = 	snop  }
0x5: {  	_ = 	snop  }
0x6: {  	_ = 	snop  }
0x7: {  	_ = 	snop  }
__scs_overlays_trampoline_lowered:
0x8: {  	[smem:$0x3FA9] =	sst s0  }
0x9: {  	[smem:$0x3FAA] =	sst s1  }
0xa: {  	[smem:$0x3FAB] =	sst s2  }
0xb: {  	[smem:$0x3FAC] =	sst s3  }
0xc: {  	[smem:$0x3FAD] =	sst s4  }
0xd: {  	[smem:$0x3FAE] =	sst s5  }
0xe: {  	[smem:$0x3FAF] =	sst s6  }
0xf: {  	[smem:$0x3FB0] =	sst s7  }
0x10: {  	[smem:$0x3FB1] =	sst s8  }
0x11: {  	[smem:$0x3FB2] =	sst s9;
	s0 =	simm.s32 @!p0 $0x0  }
0x12: {  	s1 =	sld [smem:$0x3F98];
	s0 =	simm.s32 @p0 $0x1  }
0x13: {  	[smem:$0x3FB3] =	sst s0;
	s0 =	simm.s32 @!p1 $0x0  }
0x14: {  	s2 =	sld [smem:$0x3F97];
	s0 =	simm.s32 @p1 $0x1  }
0x15: {  	[smem:$0x3FB4] =	sst s0;
	s0 =	simm.s32 @!p2 $0x0  }
0x16: {  	s3 =	sld [smem:$0x3FDB];
	s0 =	simm.s32 @p2 $0x1  }
0x17: {  	s4 =	simm.s32 $0x1BF5;
	[smem:$0x3FB6] =	sst s0  }
0x18: {  	s0 =	sld [smem:$0x3F99];
	_ =	swait.ge [sflag:s4], $0x0  }
0x19: {  	s7 =	sld [smem:$0x3F9A]  }
0x1a: {  	s8 =	sadd.s32 $0xFFFFE003, lr  }
0x1b: {  	s9 =	sadd.s32 $0xFFFFFEF7, lr;
	s5 =	simm.s32 $0xFFFFFFFF;
	p2 =	slt.u32 s8, $0xFFFFF086  }
0x1c: {  	p1 =	slt.u32 s9, $0xF7A;
	s5 =	simm.s32 @!p2 $0x0  }
0x1d: {  	s5 =	simm.s32 @p1 $0x1;
	p0 =	seq.s32 s7, s2  }
0x1e: {  	s7 =	smul.u32 @!p0 $0xF7A, s2;
	p2 =	seq.s32 @!p0 s5, $0x0  }
0x1f: {  	s9 =	smul.u32 $0xF7A, s1;
	s8 =	simm.s32 @!p0 $0x1BF5;
	p2 =	por !p2, p0  }
0x20: {  	[sflag:s8] =	ssyncset.s32 @!p0 $0xFFFFF086;
	s6 =	sadd.s32 @!p0 s3, s7;
	s7 =	simm.s32 @!p0 $0x108  }
0x21: {  	s3 =	sadd.s32 s3, s9;
	s6 =	sadd.s32 @!p0 $0x88, s6;
	s7 =	simm.s32 @p2 $0x1082  }
0x22: {  	[simem:s7], [sflag:s8] =	dma.local @!p0 [hbm:s6], $0xF7A  }
0x23: {  	s9 =	sor.u32 $0xD0000000, s2;
	s6 =	simm.s32 $0x108;
	_ =	swait.ge @!p0 [sflag:s8], $0x0  }
0x24: {  	s3 =	sadd.s32 $0x88, s3;
	s6 =	simm.s32 @!p1 $0x1082;
	[sflag:s4] =	ssyncset.s32 $0xFFFFF086  }
0x25: {  	[simem:s6], [sflag:s4] =	dma.local [hbm:s3], $0xF7A  }
0x26: {  	[smem:$0x3F9A] =	sst s1;
	(tag) =	ssettag s2;
	_ =	strace s9  }
0x27: {  	s1 =	sld [smem:$0x3FAA]  }
0x28: {  	s2 =	sld [smem:$0x3FAB]  }
0x29: {  	s4 =	sld [smem:$0x3FAD]  }
0x2a: {  	p0 =	seq.s32 s5, $0x0;
	s5 =	sld [smem:$0x3FAE]  }
0x2b: {  	s6 =	sld [smem:$0x3FAF]  }
0x2c: {  	s7 =	sld [smem:$0x3FB0]  }
0x2d: {  	s3 =	simm.s32 $0x108;
	s8 =	sld [smem:$0x3FB1]  }
0x2e: {  	s3 =	simm.s32 @!p0 $0x1082;
	s9 =	sld [smem:$0x3FB2]  }
0x2f: {  	lr =	sadd.s32 s0, s3;
	s0 =	sld [smem:$0x3FA9]  }
0x30: {  	s3 =	sld [smem:$0x3FAC]  }
0x31: {  	[smem:$0x3FB5] =	sst s10  }
0x32: {  	s10 =	sld [smem:$0x3FB3];
	_ =	sdelay $0x3  }
0x33: {  	p0 =	seq.s32 s10, $0x1;
	s10 =	sld [smem:$0x3FB5];
	_ =	sdelay $0x3  }
0x34: {  	[smem:$0x3FB5] =	sst s10  }
0x35: {  	s10 =	sld [smem:$0x3FB4];
	_ =	sdelay $0x3  }
0x36: {  	p1 =	seq.s32 s10, $0x1;
	s10 =	sld [smem:$0x3FB5];
	_ =	sdelay $0x3  }
0x37: {  	[smem:$0x3FB5] =	sst s10  }
0x38: {  	s10 =	sld [smem:$0x3FB6]  }
0x39: {  	_ = 	snop;
	(pc) =	sbr.ind lr, $3  }
0x3a: {  	_ = 	snop  }
0x3b: {  	_ = 	snop  }
0x3c: {  	p2 =	seq.s32 s10, $0x1;
	s10 =	sld [smem:$0x3FB5]  }
0x3d: {  	_ =	shalt  }
0x3e: {  	_ =	shalt  }
0x3f: {  	_ =	shalt  }
0x40: {  	_ =	shalt  }
0x41: {  	_ =	shalt  }
0x42: {  	_ =	shalt  }
0x43: {  	_ =	shalt  }
0x44: {  	_ =	shalt  }
0x45: {  	_ =	shalt  }
0x46: {  	_ =	shalt  }
0x47: {  	_ =	shalt  }
0x48: {  	_ =	shalt  }
0x49: {  	_ =	shalt  }
0x4a: {  	_ =	shalt  }
0x4b: {  	_ =	shalt  }
0x4c: {  	_ =	shalt  }
0x4d: {  	_ =	shalt  }
0x4e: {  	_ =	shalt  }
0x4f: {  	_ =	shalt  }
0x50: {  	_ =	shalt  }
0x51: {  	_ =	shalt  }
0x52: {  	_ =	shalt  }
0x53: {  	_ =	shalt  }
0x54: {  	_ =	shalt  }
0x55: {  	_ =	shalt  }
0x56: {  	_ =	shalt  }
0x57: {  	_ =	shalt  }
0x58: {  	_ =	shalt  }
0x59: {  	_ =	shalt  }
0x5a: {  	_ =	shalt  }
0x5b: {  	_ =	shalt  }
0x5c: {  	_ =	shalt  }
0x5d: {  	_ =	shalt  }
0x5e: {  	_ =	shalt  }
0x5f: {  	_ =	shalt  }
0x60: {  	_ =	shalt  }
0x61: {  	_ =	shalt  }
0x62: {  	_ =	shalt  }
0x63: {  	_ =	shalt  }
0x64: {  	_ =	shalt  }
0x65: {  	_ =	shalt  }
0x66: {  	_ =	shalt  }
0x67: {  	_ =	shalt  }
0x68: {  	_ =	shalt  }
0x69: {  	_ =	shalt  }
0x6a: {  	_ =	shalt  }
0x6b: {  	_ =	shalt  }
0x6c: {  	_ =	shalt  }
0x6d: {  	_ =	shalt  }
0x6e: {  	_ =	shalt  }
0x6f: {  	_ =	shalt  }
0x70: {  	_ =	shalt  }
0x71: {  	_ =	shalt  }
0x72: {  	_ =	shalt  }
0x73: {  	_ =	shalt  }
0x74: {  	_ =	shalt  }
0x75: {  	_ =	shalt  }
0x76: {  	_ =	shalt  }
0x77: {  	_ =	shalt  }
0x78: {  	_ =	shalt  }
0x79: {  	_ =	shalt  }
0x7a: {  	_ =	shalt  }
0x7b: {  	_ =	shalt  }
0x7c: {  	_ =	shalt  }
0x7d: {  	_ =	shalt  }
0x7e: {  	_ =	shalt  }
0x7f: {  	_ =	shalt  }
0x80: {  	_ =	shalt  }
0x81: {  	_ =	shalt  }
0x82: {  	_ =	shalt  }
0x83: {  	_ =	shalt  }
0x84: {  	_ =	shalt  }
0x85: {  	_ =	shalt  }
0x86: {  	_ =	shalt  }
0x87: {  	_ =	shalt  }
.Lfunc_end0:
.L_simem_size_0:
called_computation.2_lowered:
.L_overlay_start_0:
0x88: {  	s2 =	sld [smem:$0x3FD9]  }
0x89: {  	s3 =	sld [smem:$0x3FFE];
	_ =	sdelay $0x1  }
0x8a: {  	s1 =	srdreg.scid  }
0x8b: {  	s0 =	sand.u32 $0x1, s1  }
0x8c: {  	s17 =	sshll.u32 s0, $0xA;
	s2 =	sadd.s32 s3, s2  }
0x8d: {  	s2 =	sadd.s32 s2, s17  }
0x8e: {  	[smem:$0x3FC1] =	sst s2  }
0x8f: {  	_ = 	snop  }
0x90: {  	s2 =	sld [smem:$0x3FD0];
	(tm) =	ssettm $0x1  }
0x91: {  	s18 =	sld [smem:$0x3FFB];
	_ =	sdelay $0x3  }
0x92: {  	_ =	strace s18  }
0x93: {  	s3 =	sld [smem:$0x3FFC];
	_ =	sdelay $0x3  }
0x94: {  	_ =	strace s3  }
0x95: {  	s3 =	sld [smem:$0x3FFD];
	_ =	sdelay $0x3  }
0x96: {  	_ =	strace s3  }
0x97: {  	_ =	strace $0x8FFFFFFF  }
0x98: {  	s19 =	sld [smem:$0x3FDB];
	_ =	sdelay $0x1  }
0x99: {  	s4 =	simm.s32 $_scs_section_size  }
0x9a: {  	s5 =	simm.s32 $_size__tile_overlayer_lowered;
	s6 =	simm.s32 $_tile_overlayer_lowered  }
0x9b: {  	s22 =	simm.s32 $0x1BFF;
	s21 =	sshll.u32 s6, $0x1;
	s3 =	sadd.s32 s4, s19  }
0x9c: {  	s7 =	simm.s32 $0x0;
	s20 =	sshll.u32 s5, $0x1;
	s5 =	sadd.s32 s21, s3  }
0x9d: {  	[timem:s7], [sflag:s22] =	dma.local [hbm:s5], s20  }
0x9e: {  	_ =	swait.ge [sflag:s22], s20  }
0x9f: {  	s4 =	ssub.s32 $0x0, s20;
	[sflag:s22] =	ssyncset.done $0x0  }
0xa0: {  	[sflag:s22] =	ssyncadd.s32 s4;
	_ =	sdelay $0x1  }
0xa1: {  	s23 =	simm.s32 $0x1B8B  }
0xa2: {  	_ =	swait.ge [sflag:s23], $0x1  }
0xa3: {  	[sflag:s23] =	ssyncset.done $0x0  }
0xa4: {  	s25 =	simm.s32 $0x1B8E;
	s24 =	sld [smem:$0x3FFE];
	[sflag:s23] =	ssyncadd.s32 $0xFFFFFFFF  }
0xa5: {  	s26 =	simm.s32 $execute0_lowered;
	[smem:$0x3FD2] =	sst s25  }
0xa6: {  	s5 =	sshll.u32 s26, $0x1;
	_ =	strace $0x8000004C;
	[dreg:$0x1] =	wrdreg $0xFFFFFFFF  }
0xa7: {  	s28 =	simm.s32 $_size_execute0_lowered;
	s3 =	sadd.s32 s3, s5;
	[dreg:$0x0] =	wrdreg $0x0  }
0xa8: {  	s5 =	sshll.u32 s28, $0x1;
	[dreg:$0x2] =	wrdreg s3  }
0xa9: {  	[dreg:$0x3] =	wrdreg s5  }
0xaa: {  	[dreg:$0x4] =	wrdreg $0xC0  }
0xab: {  	_ =	task [dreg:s7], $0x5FFFF  }
0xac: {  	[dreg:$0x1] =	wrdreg $0xFFFFFFFF  }
0xad: {  	[dreg:$0x0] =	wrdreg $0x60  }
0xae: {  	[dreg:$0x2] =	wrdreg s24  }
0xaf: {  	[dreg:$0x3] =	wrdreg s2  }
0xb0: {  	[dreg:$0x4] =	wrdreg $0x9  }
0xb1: {  	_ =	task.clear_ibuf [dreg:s7], $0x5FFFF;
	_ =	strace $0x9000004C  }
0xb2: {  	s29 =	simm.s32 $0x9;
	_ =	strace $0x8000004E  }
0xb3: {  	_ =	swait.ge [sflag:s29], $0x1  }
0xb4: {  	[sflag:s29] =	ssyncadd.s32 $0xFFFFFFFF  }
0xb5: {  	_ =	strace $0x9000004E  }
0xb6: {  	_ =	sfence  }
0xb7: {  	s30 =	sld [smem:$0x0];
	_ =	sdelay $0x2  }
0xb8: {  	s31 =	sshll.u32 s1, $0xD;
	s1 =	sshrl.u32 s1, $0x2  }
0xb9: {  	s3 =	sand.u32 $0x4000, s31;
	s1 =	sadd.s32 s1, s30  }
0xba: {  	s0 =	sor.u32 s3, s0;
	s1 =	sshll.u32 s1, $0x11  }
0xbb: {  	s0 =	sor.u32 s1, s0  }
0xbc: {  	s0 =	sadd.s32 $0x8F2B, s0  }
0xbd: {  	[sflag:s0] =	ssyncadd.remote.s32 $0x1  }
0xbe: {  	_ =	sfence.sel $0xFFFF  }
0xbf: {  	[dreg:$0x0] =	wrdreg $0xFFFFFFFF;
	(pc) =	sbr.abs _section_cstart, $3  }
0xc0: {  	[dreg:$0x1] =	wrdreg $0xFFFFFFFF  }
0xc1: {  	_ =	task.clear_ibuf [dreg:s7], $0x2FFFF;
	_ =	strace $0x9FFFFFFF  }
0xc2: {  	(tm) =	ssettm $0x7FFFFFFF  }
0xc3: {  	_ =	shalt  }
tec
execute0_lowered:
.L_overlay_start_1:
0x0: {  	(tag) =	ssettag $0x1  }
0x1: {  	s0 =	rddreg [dreg:$0x0];
	s1 =	srdreg.scid  }
0x2: {  	s3 =	stileid.u32;
	s2 =	rddreg [dreg:$0x1];
	s9 =	simm.s32 $0x10  }
0x3: {  	s11 =	simm.s32 $0x50;
	s30 =	simm.s32 $0xB;
	s31 =	simm.s32 $0xC  }
0x4: {  	s12 =	simm.s32 $0xF;
	s1 =	sand.u32 $0x1, s1;
	s4 =	sshll.u32 s3, $0x1  }
0x5: {  	s13 =	simm.s32 $0x0;
	s3 =	simm.s32 $0x0;
	s5 =	sor.u32 s1, s4  }
0x6: {  	[smem:$0x7FF] =	sst s3;
	s1 =	ssub.s32 $0x2, s1;
	s6 =	smul.u32 $0x4E2, s5  }
0x7: {  	s4 =	sadd.s32 $0x1800, s0;
	_ =	strace $0x8000004D;
	s7 =	sshrl.u32 s1, $0x1  }
0x8: {  	s1 =	ssub.s32 s1, s7;
	s7 =	smul.u32 $0x7D, s5;
	s0 =	sadd.s32 s6, s0  }
0x9: {  	s8 =	smax.u32 s1, $0x1;
	s1 =	simm.s32 $0xD;
	s6 =	sadd.s32 $0x8C600, s0  }
0xa: {  	v0 =	vlaneseq.u32;
	[dreg:$0x3] =	wrdreg s6;
	s6 =	sadd.s32 $0x82800, s0;
	s0 =	simm.s32 $0xE  }
.LBB2_1:
0xb: {  	s5 =	rddreg [dreg:$0x3]  }
0xc: {  	[tilespmem:s3], [sflag:$0x10] =	stream.linear.gather [hbm4b:s5+s3], $0x2710, $0x38;
	[tilespmem:$0x1E300] =	vst v63  }
0xd: {  	_ =	swait.ge [sflag:s9], $0x2710  }
0xe: {  	[sflag:s9] =	ssyncset.done $0x0  }
0xf: {  	s28 =	simm.s32 $0x2780;
	[sflag:s9] =	ssyncadd.s32 $0xFFFFD8F0  }
0x10: {  	[tilespmem:s28], [sflag:$0x10] =	stream.linear.gather [hbm4b:s6+s3], $0x2710, $0x38;
	[tilespmem:$0x1E300] =	vst v63  }
0x11: {  	_ =	swait.ge [sflag:s9], $0x2710  }
0x12: {  	[sflag:s9] =	ssyncset.done $0x0  }
0x13: {  	s10 =	simm.s32 $0x4F00;
	[sflag:s9] =	ssyncadd.s32 $0xFFFFD8F0  }
0x14: {  	[tilespmem:s10], [sflag:$0x1] =	stream.indirect.gather [hbm4b:s4+s11], $0x80, s3, s11, $0xb8;
	[tilespmem:$0x1E300] =	vst v63  }
0x15: {  	s29 =	simm.s32 $0x11700  }
0x16: {  	[tilespmem:s29], [sflag:$0x6] =	stream.indirect.gather [hbm4b:s4+s11], $0x80, s28, s11, $0xb8;
	[tilespmem:$0x1E300] =	vst v63  }
0x17: {  	s14 =	simm.s32 $0x7700  }
0x18: {  	[tilespmem:s14], [sflag:$0x2] =	stream.indirect.gather [hbm4b:s4+s11], $0x80, s11, s11, $0xb8;
	[tilespmem:$0x1E300] =	vst v63  }
0x19: {  	s15 =	simm.s32 $0x27D0;
	s16 =	simm.s32 $0x13F00  }
0x1a: {  	[tilespmem:s16], [sflag:$0x7] =	stream.indirect.gather [hbm4b:s4+s11], $0x80, s15, s11, $0xb8;
	[tilespmem:$0x1E300] =	vst v63  }
0x1b: {  	s17 =	simm.s32 $0xA0;
	s18 =	simm.s32 $0x9F00  }
0x1c: {  	[tilespmem:s18], [sflag:$0x3] =	stream.indirect.gather [hbm4b:s4+s11], $0x80, s17, s11, $0xb8;
	[tilespmem:$0x1E300] =	vst v63  }
0x1d: {  	s19 =	simm.s32 $0x2820;
	s20 =	simm.s32 $0x16700  }
0x1e: {  	[tilespmem:s20], [sflag:$0x8] =	stream.indirect.gather [hbm4b:s4+s11], $0x80, s19, s11, $0xb8;
	[tilespmem:$0x1E300] =	vst v63  }
0x1f: {  	s21 =	simm.s32 $0xF0;
	s22 =	simm.s32 $0xC700  }
0x20: {  	[tilespmem:s22], [sflag:$0x4] =	stream.indirect.gather [hbm4b:s4+s11], $0x80, s21, s11, $0xb8;
	[tilespmem:$0x1E300] =	vst v63  }
0x21: {  	s23 =	simm.s32 $0x2870;
	s24 =	simm.s32 $0x18F00;
	s25 =	simm.s32 $0x140  }
0x22: {  	[tilespmem:s24], [sflag:$0x9] =	stream.indirect.gather [hbm4b:s4+s11], $0x80, s23, s11, $0xb8;
	[tilespmem:$0x1E300] =	vst v63  }
0x23: {  	s26 =	simm.s32 $0xEF00;
	s28 =	simm.s32 $0x28C0;
	s29 =	simm.s32 $0x1B700  }
0x24: {  	[tilespmem:s26], [sflag:$0x5] =	stream.indirect.gather [hbm4b:s4+s11], $0x80, s25, s11, $0xb8;
	[tilespmem:$0x1E300] =	vst v63  }
0x25: {  	s14 =	simm.s32 $0x4F40;
	s15 =	simm.s32 $0x11770;
	s16 =	simm.s32 $0x0  }
0x26: {  	[tilespmem:s29], [sflag:$0xA] =	stream.indirect.gather [hbm4b:s4+s11], $0x80, s28, s11, $0xb8;
	[tilespmem:$0x1E300] =	vst v63  }
.LBB2_2:
0x27: {  	s5 =	smul.u32 $0xCD, s16;
	_ =	sdelay $0x1  }
0x28: {  	s5 =	sshrl.u32 s5, $0xA  }
0x29: {  	s5 =	sand.u32 $0x3F, s5  }
0x2a: {  	s5 =	smul.u32 $0x5, s5;
	_ =	sdelay $0x1  }
0x2b: {  	s5 =	ssub.s32 s16, s5  }
0x2c: {  	p0 =	slt.u32 s16, $0x5;
	s17 =	sand.u32 $0xFF, s5  }
0x2d: {  	s5 =	sadd.s32 @!p0 $0xB, s17  }
0x2e: {  	_ =	swait.ge @!p0 [sflag:s5], $0x50  }
0x2f: {  	[sflag:s5] =	ssyncset.done @!p0 $0x0  }
0x30: {  	s10 =	smulhi.u32 $0xCCCCCCCD, s16;
	s18 =	sadd.s32 $0x1, s17;
	[sflag:s5] =	ssyncadd.s32 @!p0 $0xFFFFFFB0  }
0x31: {  	s24 =	simm.s32 $0x0;
	_ =	swait.ge [sflag:s18], $0x2800  }
0x32: {  	s25 =	simm.s32 $0x0;
	s28 =	sshrl.u32 s10, $0x2;
	[sflag:s18] =	ssyncset.done $0x0  }
0x33: {  	s19 =	sadd.s32 $0x6, s17;
	s5 =	smul.u32 $0xFFFCE000, s28;
	[sflag:s18] =	ssyncadd.s32 $0xFFFFD800  }
0x34: {  	s29 =	sshll.u32 s17, $0x7;
	s20 =	smul.u32 $0x2800, s17;
	_ =	swait.ge [sflag:s19], $0x2800  }
0x35: {  	s21 =	sadd.s32 $0x1DF00, s29;
	s5 =	sshra.s32 s5, $0x2;
	[sflag:s19] =	ssyncset.done $0x0  }
0x36: {  	v1 =	vmov s21;
	s22 =	sadd.s32 s5, s14;
	s23 =	sadd.s32 s5, s15;
	[sflag:s19] =	ssyncadd.s32 $0xFFFFD800  }
.LBB2_3:
0x37: {  	v2 =	vld [tilespmem:s22+$0xFFFFFFC0]  }
0x38: {  	v3 =	vld [tilespmem:s23+$0xFFFFFF90]  }
0x39: {  	v4 =	vld [tilespmem:s22+$0xFFFFFFD0]  }
0x3a: {  	v5 =	vld [tilespmem:s23+$0xFFFFFFA0]  }
0x3b: {  	v6 =	vld [tilespmem:s22+$0xFFFFFFE0]  }
0x3c: {  	v7 =	vld [tilespmem:s23+$0xFFFFFFB0]  }
0x3d: {  	v8 =	vld [tilespmem:s22+$0xFFFFFFF0]  }
0x3e: {  	v9 =	vld [tilespmem:s23+$0xFFFFFFC0]  }
0x3f: {  	v2 =	vmul.f32 v3, v2;
	v3 =	vmul.f32 v5, v4;
	v4 =	vld [tilespmem:s22+$0x0]  }
0x40: {  	v5 =	vld [tilespmem:s23+$0xFFFFFFD0]  }
0x41: {  	v2 =	vadd.f32 v3, v2;
	v3 =	vmul.f32 v7, v6;
	v6 =	vld [tilespmem:s22+$0x10]  }
0x42: {  	v7 =	vld [tilespmem:s23+$0xFFFFFFE0]  }
0x43: {  	v2 =	vadd.f32 v3, v2;
	v3 =	vmul.f32 v9, v8;
	v8 =	vld [tilespmem:s22+$0x20]  }
0x44: {  	v9 =	vld [tilespmem:s23+$0xFFFFFFF0]  }
0x45: {  	v2 =	vadd.f32 v3, v2;
	v3 =	vmul.f32 v5, v4;
	v4 =	vld [tilespmem:s22+$0x30]  }
0x46: {  	s5 =	sadd.s32 $0x80, s22;
	v5 =	vld [tilespmem:s23+$0x0]  }
0x47: {  	s10 =	sadd.s32 $0x80, s23;
	v10 =	vld [tilespmem:s5+$0xFFFFFFC0];
	v2 =	vadd.f32 v3, v2;
	v3 =	vmul.f32 v7, v6  }
0x48: {  	v6 =	vld [tilespmem:s10+$0xFFFFFF90]  }
0x49: {  	v7 =	vld [tilespmem:s5+$0xFFFFFFD0];
	v2 =	vadd.f32 v3, v2;
	v3 =	vmul.f32 v9, v8  }
0x4a: {  	v8 =	vld [tilespmem:s10+$0xFFFFFFA0]  }
0x4b: {  	v9 =	vld [tilespmem:s5+$0xFFFFFFE0];
	v2 =	vadd.f32 v3, v2;
	v3 =	vmul.f32 v5, v4  }
0x4c: {  	v4 =	vld [tilespmem:s10+$0xFFFFFFB0]  }
0x4d: {  	v5 =	vld [tilespmem:s5+$0xFFFFFFF0];
	v2 =	vadd.f32 v3, v2  }
0x4e: {  	v3 =	vld [tilespmem:s10+$0xFFFFFFC0]  }
0x4f: {  	v6 =	vmul.f32 v6, v10;
	v7 =	vmul.f32 v8, v7;
	v8 =	vld [tilespmem:s5+$0x0];
	(xrf2) =	vadd.scan.msk.f32 $0xffff, v2  }
0x50: {  	v2 =	vld [tilespmem:s10+$0xFFFFFFD0]  }
0x51: {  	v6 =	vadd.f32 v7, v6;
	v4 =	vmul.f32 v4, v9;
	v7 =	vld [tilespmem:s5+$0x10]  }
0x52: {  	v9 =	vld [tilespmem:s10+$0xFFFFFFE0]  }
0x53: {  	v11 =	vld [tilespmem:s10+$0xFFFFFFF0];
	v4 =	vadd.f32 v4, v6;
	v3 =	vmul.f32 v3, v5  }
0x54: {  	v6 =	vld [tilespmem:s5+$0x20]  }
0x55: {  	v10 =	vadd.f32 v3, v4;
	v2 =	vmul.f32 v2, v8;
	v3 =	vld [tilespmem:s5+$0x30]  }
0x56: {  	s29 =	sadd.s32 $0x80, s5;
	v4 =	vld [tilespmem:s10+$0x0]  }
0x57: {  	v5 =	vld [tilespmem:s29+$0xFFFFFFC0];
	s10 =	sadd.s32 $0x80, s10;
	v7 =	vmul.f32 v9, v7;
	v12 =	vadd.f32 v2, v10  }
0x58: {  	v8 =	vld [tilespmem:s10+$0xFFFFFF90]  }
0x59: {  	v10 =	vld [tilespmem:s29+$0xFFFFFFD0];
	v11 =	vmul.f32 v11, v6;
	v7 =	vadd.f32 v7, v12;
	v9, _, _ =	vpop (xrf2)  }
0x5a: {  	s28 =	simm.s32 $0x1;
	s26 =	simm.s32 $0x2;
	s5 =	simm.s32 $0x3;
	v2 =	vimm.f32 $0.0e+00;
	v12 =	vld [tilespmem:s10+$0xFFFFFFA0];
	v6 =	vbroadcast v9, $0xF;
	v9 =	vmov s24  }
.LBB2_4:
0x5b: {  	p0 =	sne.s32 s5, $0xF;
	v13 =	vld [tilespmem:s29+$0xFFFFFFE0];
	v7 =	vadd.f32 v11, v7;
	v3 =	vmul.f32 v4, v3;
	vm0 =	veq.s32 v9, v0  }
0x5c: {  	v4 =	vld [tilespmem:s10+$0xFFFFFFB0];
	v2 =	vsel vm0, v6, v2  }
0x5d: {  	v6 =	vld [tilespmem:s29+$0xFFFFFFF0];
	v3 =	vadd.f32 v3, v7  }
0x5e: {  	v7 =	vld [tilespmem:s10+$0xFFFFFFC0]  }
0x5f: {  	v5 =	vmul.f32 v8, v5;
	v8 =	vmul.f32 v12, v10;
	v9 =	vld [tilespmem:s29+$0x0];
	(xrf2) =	vadd.scan.msk.f32 $0xffff, v3  }
0x60: {  	v3 =	vld [tilespmem:s10+$0xFFFFFFD0]  }
0x61: {  	v5 =	vadd.f32 v8, v5;
	v4 =	vmul.f32 v4, v13;
	v8 =	vld [tilespmem:s29+$0x10]  }
0x62: {  	v10 =	vld [tilespmem:s10+$0xFFFFFFE0]  }
0x63: {  	v4 =	vadd.f32 v4, v5;
	v5 =	vmul.f32 v7, v6;
	v6 =	vld [tilespmem:s29+$0x20]  }
0x64: {  	v11 =	vld [tilespmem:s10+$0xFFFFFFF0]  }
0x65: {  	v7 =	vadd.f32 v5, v4;
	v9 =	vmul.f32 v3, v9;
	v3 =	vld [tilespmem:s29+$0x30]  }
.Ltmp0:
0x66: {  	s29 =	sadd.s32 $0x80, s29;
	v4 =	vld [tilespmem:s10+$0x0];
	(pc) =	sbr.rel @p0 .LBB2_4-.Ltmp0, $4  }
0x67: {  	s10 =	sadd.s32 $0x80, s10;
	v5 =	vld [tilespmem:s29+$0xFFFFFFC0];
	v7 =	vadd.f32 v9, v7;
	v9 =	vmul.f32 v10, v8  }
0x68: {  	v8 =	vld [tilespmem:s10+$0xFFFFFF90]  }
0x69: {  	v10 =	vld [tilespmem:s29+$0xFFFFFFD0];
	v7 =	vadd.f32 v9, v7;
	v11 =	vmul.f32 v11, v6;
	v6, _, _ =	vpop (xrf2)  }
0x6a: {  	v9 =	vmov s28;
	s28 =	smov.u32 s26;
	s26 =	smov.u32 s5;
	s5 =	sadd.s32 $0x1, s5;
	v12 =	vld [tilespmem:s10+$0xFFFFFFA0];
	v6 =	vbroadcast v6, $0xF  }
0x6b: {  	v13 =	vld [tilespmem:s29+$0xFFFFFFE0]  }
0x6c: {  	v14 =	vld [tilespmem:s10+$0xFFFFFFB0]  }
0x6d: {  	v15 =	vld [tilespmem:s29+$0xFFFFFFF0]  }
0x6e: {  	v16 =	vld [tilespmem:s10+$0xFFFFFFC0]  }
0x6f: {  	v45 =	vld [tilespmem:s29+$0x0];
	v5 =	vmul.f32 v8, v5;
	v44 =	vmul.f32 v12, v10  }
0x70: {  	v46 =	vld [tilespmem:s10+$0xFFFFFFD0]  }
0x71: {  	v48 =	vld [tilespmem:s29+$0x10];
	v47 =	vmul.f32 v14, v13;
	v5 =	vadd.f32 v44, v5  }
0x72: {  	v49 =	vld [tilespmem:s10+$0xFFFFFFE0]  }
0x73: {  	v51 =	vld [tilespmem:s29+$0x20];
	v50 =	vmul.f32 v16, v15;
	v5 =	vadd.f32 v47, v5  }
0x74: {  	v52 =	vld [tilespmem:s10+$0xFFFFFFF0]  }
0x75: {  	v54 =	vld [tilespmem:s29+$0x30];
	v53 =	vmul.f32 v46, v45;
	v5 =	vadd.f32 v50, v5  }
0x76: {  	v55 =	vld [tilespmem:s10+$0x0]  }
0x77: {  	v56 =	vmul.f32 v49, v48;
	v5 =	vadd.f32 v53, v5;
	_ =	sdelay $0x1  }
0x78: {  	v57 =	vmul.f32 v52, v51;
	v5 =	vadd.f32 v56, v5  }
0x79: {  	v7 =	vadd.f32 v11, v7;
	v3 =	vmul.f32 v4, v3  }
0x7a: {  	v59 =	vmul.f32 v55, v54;
	v58 =	vadd.f32 v57, v5  }
0x7b: {  	v3 =	vadd.f32 v3, v7  }
0x7c: {  	v4 =	vadd.f32 v59, v58  }
0x7d: {  	(xrf2) =	vadd.scan.msk.f32 $0xffff, v3  }
0x7e: {  	(xrf2) =	vadd.scan.msk.f32 $0xffff, v4;
	_ =	sdelay $0x7  }
0x7f: {  	s5 =	sshll.u32 s25, $0x4;
	s25 =	sadd.s32 $0x1, s25  }
0x80: {  	vm0 =	veq.s32 v9, v0;
	p0 =	sne.s32 s25, $0x5;
	v3, _, _ =	vpop (xrf2)  }
.Ltmp1:
0x81: {  	v60 =	vmov s28;
	v63 =	vmov s26;
	v3 =	vbroadcast v3, $0xF;
	v61, _, _ =	vpop (xrf2);
	(pc) =	sbr.rel @p0 .LBB2_3-.Ltmp1, $4  }
0x82: {  	v2 =	vsel vm0, v6, v2;
	vm14 =	veq.s32 v60, v0;
	v62 =	vbroadcast v61, $0xF  }
0x83: {  	vm15 =	veq.s32 v63, v0;
	v2 =	vsel vm14, v3, v2  }
0x84: {  	s5 =	sand.u32 $0x3FFFFFF0, s5;
	v2 =	vsel vm15, v62, v2  }
0x85: {  	s22 =	sadd.s32 $0x800, s22;
	s23 =	sadd.s32 $0x800, s23;
	[tilespmem:v1+s5+$0x0 ss:$0x1] =	vst.idx.msk $0xffff, v2  }
0x86: {  	s5 =	sadd.s32 s7, s16  }
0x87: {  	s5 =	smul.u32 $0xA, s5  }
0x88: {  	s24 =	smul.u32 $0x50, s16;
	s16 =	sadd.s32 $0x1, s16  }
0x89: {  	s10 =	sadd.s32 $0xB, s17;
	p0 =	sne.s32 s16, $0x78;
	s5 =	sadd.s32 s2, s5  }
0x8a: {  	[hbm4b:s5+s3] =	stream.linear.scatter [tilespmem:s21], [sflag:s10], $0x50, $0x38;
	[tilespmem:$0x1E300] =	vst v63  }
.Ltmp2:
0x8b: {  	_ = 	snop;
	(pc) =	sbr.rel @p0 .LBB2_2-.Ltmp2, $4  }
0x8c: {  	s26 =	sadd.s32 $0x4F00, s20;
	s28 =	sadd.s32 $0x11700, s20;
	s25 =	sadd.s32 $0x190, s24  }
0x8d: {  	[tilespmem:s26], [sflag:s18] =	stream.indirect.gather [hbm4b:s4+s11], $0x80, s25, s11, $0xb8;
	[tilespmem:$0x1E300] =	vst v63  }
0x8e: {  	s14 =	sadd.s32 $0x2800, s14;
	s15 =	sadd.s32 $0x2800, s15;
	s29 =	sadd.s32 $0x2910, s24  }
0x8f: {  	[tilespmem:s28], [sflag:s19] =	stream.indirect.gather [hbm4b:s4+s11], $0x80, s29, s11, $0xb8;
	[tilespmem:$0x1E300] =	vst v63  }
0x90: {  	s14 =	simm.s32 $0x78  }
0x91: {  	s15 =	simm.s32 $0x130F40;
	s16 =	simm.s32 $0x13D770  }
.LBB2_8:
0x92: {  	s5 =	smul.u32 $0xCD, s14;
	_ =	sdelay $0x1  }
0x93: {  	s5 =	sshrl.u32 s5, $0xA  }
0x94: {  	s5 =	sand.u32 $0x3F, s5  }
0x95: {  	s5 =	smul.u32 $0x5, s5;
	_ =	sdelay $0x1  }
0x96: {  	s5 =	ssub.s32 s14, s5  }
0x97: {  	s5 =	sand.u32 $0xFF, s5  }
0x98: {  	s17 =	sadd.s32 $0xB, s5  }
0x99: {  	_ =	swait.ge [sflag:s17], $0x50  }
0x9a: {  	s10 =	smulhi.u32 $0xCCCCCCCD, s14;
	[sflag:s17] =	ssyncset.done $0x0  }
0x9b: {  	s18 =	sadd.s32 $0x1, s5;
	[sflag:s17] =	ssyncadd.s32 $0xFFFFFFB0  }
0x9c: {  	s10 =	sshrl.u32 s10, $0x2;
	_ =	swait.ge [sflag:s18], $0x2800  }
0x9d: {  	s10 =	smul.u32 $0xFFFCE000, s10;
	[sflag:s18] =	ssyncset.done $0x0  }
0x9e: {  	s22 =	simm.s32 $0x0;
	s21 =	sadd.s32 $0x6, s5;
	[sflag:s18] =	ssyncadd.s32 $0xFFFFD800  }
0x9f: {  	s10 =	sshra.s32 s10, $0x2;
	s5 =	sshll.u32 s5, $0x7;
	_ =	swait.ge [sflag:s21], $0x2800  }
0xa0: {  	s20 =	sadd.s32 s10, s16;
	s19 =	sadd.s32 $0x1DF00, s5;
	[sflag:s21] =	ssyncset.done $0x0  }
0xa1: {  	v1 =	vmov s19;
	s18 =	sadd.s32 s10, s15;
	[sflag:s21] =	ssyncadd.s32 $0xFFFFD800;
	s21 =	simm.s32 $0x0  }
.LBB2_9:
0xa2: {  	v2 =	vld [tilespmem:s18+$0xFFFFFFC0]  }
0xa3: {  	v3 =	vld [tilespmem:s20+$0xFFFFFF90]  }
0xa4: {  	v4 =	vld [tilespmem:s18+$0xFFFFFFD0]  }
0xa5: {  	v5 =	vld [tilespmem:s20+$0xFFFFFFA0]  }
0xa6: {  	v6 =	vld [tilespmem:s18+$0xFFFFFFE0]  }
0xa7: {  	v7 =	vld [tilespmem:s20+$0xFFFFFFB0]  }
0xa8: {  	v8 =	vld [tilespmem:s18+$0xFFFFFFF0]  }
0xa9: {  	v9 =	vld [tilespmem:s20+$0xFFFFFFC0]  }
0xaa: {  	v2 =	vmul.f32 v3, v2;
	v3 =	vmul.f32 v5, v4;
	v4 =	vld [tilespmem:s18+$0x0]  }
0xab: {  	v5 =	vld [tilespmem:s20+$0xFFFFFFD0]  }
0xac: {  	v2 =	vadd.f32 v3, v2;
	v3 =	vmul.f32 v7, v6;
	v6 =	vld [tilespmem:s18+$0x10]  }
0xad: {  	v7 =	vld [tilespmem:s20+$0xFFFFFFE0]  }
0xae: {  	v2 =	vadd.f32 v3, v2;
	v3 =	vmul.f32 v9, v8;
	v8 =	vld [tilespmem:s18+$0x20]  }
0xaf: {  	v9 =	vld [tilespmem:s20+$0xFFFFFFF0]  }
0xb0: {  	v2 =	vadd.f32 v3, v2;
	v3 =	vmul.f32 v5, v4;
	v4 =	vld [tilespmem:s18+$0x30]  }
0xb1: {  	s5 =	sadd.s32 $0x80, s18;
	v5 =	vld [tilespmem:s20+$0x0]  }
0xb2: {  	s10 =	sadd.s32 $0x80, s20;
	v10 =	vld [tilespmem:s5+$0xFFFFFFC0];
	v2 =	vadd.f32 v3, v2;
	v3 =	vmul.f32 v7, v6  }
0xb3: {  	v6 =	vld [tilespmem:s10+$0xFFFFFF90]  }
0xb4: {  	v7 =	vld [tilespmem:s5+$0xFFFFFFD0];
	v2 =	vadd.f32 v3, v2;
	v3 =	vmul.f32 v9, v8  }
0xb5: {  	v8 =	vld [tilespmem:s10+$0xFFFFFFA0]  }
0xb6: {  	v9 =	vld [tilespmem:s5+$0xFFFFFFE0];
	v2 =	vadd.f32 v3, v2;
	v3 =	vmul.f32 v5, v4  }
0xb7: {  	v4 =	vld [tilespmem:s10+$0xFFFFFFB0]  }
0xb8: {  	v5 =	vld [tilespmem:s5+$0xFFFFFFF0];
	v2 =	vadd.f32 v3, v2  }
0xb9: {  	v3 =	vld [tilespmem:s10+$0xFFFFFFC0]  }
0xba: {  	v6 =	vmul.f32 v6, v10;
	v7 =	vmul.f32 v8, v7;
	v8 =	vld [tilespmem:s5+$0x0];
	(xrf2) =	vadd.scan.msk.f32 $0xffff, v2  }
0xbb: {  	v2 =	vld [tilespmem:s10+$0xFFFFFFD0]  }
0xbc: {  	v6 =	vadd.f32 v7, v6;
	v4 =	vmul.f32 v4, v9;
	v7 =	vld [tilespmem:s5+$0x10]  }
0xbd: {  	v9 =	vld [tilespmem:s10+$0xFFFFFFE0]  }
0xbe: {  	v11 =	vld [tilespmem:s10+$0xFFFFFFF0];
	v4 =	vadd.f32 v4, v6;
	v3 =	vmul.f32 v3, v5  }
0xbf: {  	v6 =	vld [tilespmem:s5+$0x20]  }
0xc0: {  	v10 =	vadd.f32 v3, v4;
	v2 =	vmul.f32 v2, v8;
	v3 =	vld [tilespmem:s5+$0x30]  }
0xc1: {  	s25 =	sadd.s32 $0x80, s5;
	v4 =	vld [tilespmem:s10+$0x0]  }
0xc2: {  	v5 =	vld [tilespmem:s25+$0xFFFFFFC0];
	s10 =	sadd.s32 $0x80, s10;
	v7 =	vmul.f32 v9, v7;
	v12 =	vadd.f32 v2, v10  }
0xc3: {  	v8 =	vld [tilespmem:s10+$0xFFFFFF90]  }
0xc4: {  	v10 =	vld [tilespmem:s25+$0xFFFFFFD0];
	v11 =	vmul.f32 v11, v6;
	v7 =	vadd.f32 v7, v12;
	v9, _, _ =	vpop (xrf2)  }
0xc5: {  	s24 =	simm.s32 $0x1;
	s23 =	simm.s32 $0x2;
	s5 =	simm.s32 $0x3;
	v2 =	vimm.f32 $0.0e+00;
	v12 =	vld [tilespmem:s10+$0xFFFFFFA0];
	v6 =	vbroadcast v9, $0xF;
	v9 =	vmov s21  }
.LBB2_10:
0xc6: {  	p0 =	sne.s32 s5, $0xF;
	v13 =	vld [tilespmem:s25+$0xFFFFFFE0];
	v7 =	vadd.f32 v11, v7;
	v3 =	vmul.f32 v4, v3;
	vm0 =	veq.s32 v9, v0  }
0xc7: {  	v4 =	vld [tilespmem:s10+$0xFFFFFFB0];
	v2 =	vsel vm0, v6, v2  }
0xc8: {  	v6 =	vld [tilespmem:s25+$0xFFFFFFF0];
	v3 =	vadd.f32 v3, v7  }
0xc9: {  	v7 =	vld [tilespmem:s10+$0xFFFFFFC0]  }
0xca: {  	v5 =	vmul.f32 v8, v5;
	v8 =	vmul.f32 v12, v10;
	v9 =	vld [tilespmem:s25+$0x0];
	(xrf2) =	vadd.scan.msk.f32 $0xffff, v3  }
0xcb: {  	v3 =	vld [tilespmem:s10+$0xFFFFFFD0]  }
0xcc: {  	v5 =	vadd.f32 v8, v5;
	v4 =	vmul.f32 v4, v13;
	v8 =	vld [tilespmem:s25+$0x10]  }
0xcd: {  	v10 =	vld [tilespmem:s10+$0xFFFFFFE0]  }
0xce: {  	v4 =	vadd.f32 v4, v5;
	v5 =	vmul.f32 v7, v6;
	v6 =	vld [tilespmem:s25+$0x20]  }
0xcf: {  	v11 =	vld [tilespmem:s10+$0xFFFFFFF0]  }
0xd0: {  	v7 =	vadd.f32 v5, v4;
	v9 =	vmul.f32 v3, v9;
	v3 =	vld [tilespmem:s25+$0x30]  }
.Ltmp3:
0xd1: {  	s25 =	sadd.s32 $0x80, s25;
	v4 =	vld [tilespmem:s10+$0x0];
	(pc) =	sbr.rel @p0 .LBB2_10-.Ltmp3, $4  }
0xd2: {  	s10 =	sadd.s32 $0x80, s10;
	v5 =	vld [tilespmem:s25+$0xFFFFFFC0];
	v7 =	vadd.f32 v9, v7;
	v9 =	vmul.f32 v10, v8  }
0xd3: {  	v8 =	vld [tilespmem:s10+$0xFFFFFF90]  }
0xd4: {  	v10 =	vld [tilespmem:s25+$0xFFFFFFD0];
	v7 =	vadd.f32 v9, v7;
	v11 =	vmul.f32 v11, v6;
	v6, _, _ =	vpop (xrf2)  }
0xd5: {  	v9 =	vmov s24;
	s24 =	smov.u32 s23;
	s23 =	smov.u32 s5;
	s5 =	sadd.s32 $0x1, s5;
	v12 =	vld [tilespmem:s10+$0xFFFFFFA0];
	v6 =	vbroadcast v6, $0xF  }
0xd6: {  	v13 =	vld [tilespmem:s25+$0xFFFFFFE0]  }
0xd7: {  	v14 =	vld [tilespmem:s10+$0xFFFFFFB0]  }
0xd8: {  	v15 =	vld [tilespmem:s25+$0xFFFFFFF0]  }
0xd9: {  	v16 =	vld [tilespmem:s10+$0xFFFFFFC0]  }
0xda: {  	v45 =	vld [tilespmem:s25+$0x0];
	v5 =	vmul.f32 v8, v5;
	v44 =	vmul.f32 v12, v10  }
0xdb: {  	v46 =	vld [tilespmem:s10+$0xFFFFFFD0]  }
0xdc: {  	v48 =	vld [tilespmem:s25+$0x10];
	v47 =	vmul.f32 v14, v13;
	v5 =	vadd.f32 v44, v5  }
0xdd: {  	v49 =	vld [tilespmem:s10+$0xFFFFFFE0]  }
0xde: {  	v51 =	vld [tilespmem:s25+$0x20];
	v50 =	vmul.f32 v16, v15;
	v5 =	vadd.f32 v47, v5  }
0xdf: {  	v52 =	vld [tilespmem:s10+$0xFFFFFFF0]  }
0xe0: {  	v54 =	vld [tilespmem:s25+$0x30];
	v53 =	vmul.f32 v46, v45;
	v5 =	vadd.f32 v50, v5  }
0xe1: {  	v55 =	vld [tilespmem:s10+$0x0]  }
0xe2: {  	v56 =	vmul.f32 v49, v48;
	v5 =	vadd.f32 v53, v5;
	_ =	sdelay $0x1  }
0xe3: {  	v57 =	vmul.f32 v52, v51;
	v5 =	vadd.f32 v56, v5  }
0xe4: {  	v7 =	vadd.f32 v11, v7;
	v3 =	vmul.f32 v4, v3  }
0xe5: {  	v59 =	vmul.f32 v55, v54;
	v58 =	vadd.f32 v57, v5  }
0xe6: {  	v3 =	vadd.f32 v3, v7  }
0xe7: {  	v4 =	vadd.f32 v59, v58  }
0xe8: {  	(xrf2) =	vadd.scan.msk.f32 $0xffff, v3  }
0xe9: {  	(xrf2) =	vadd.scan.msk.f32 $0xffff, v4;
	_ =	sdelay $0x7  }
0xea: {  	s5 =	sshll.u32 s22, $0x4;
	s22 =	sadd.s32 $0x1, s22  }
0xeb: {  	vm0 =	veq.s32 v9, v0;
	p0 =	sne.s32 s22, $0x5;
	v3, _, _ =	vpop (xrf2)  }
.Ltmp4:
0xec: {  	v60 =	vmov s24;
	v63 =	vmov s23;
	v3 =	vbroadcast v3, $0xF;
	v61, _, _ =	vpop (xrf2);
	(pc) =	sbr.rel @p0 .LBB2_9-.Ltmp4, $4  }
0xed: {  	v2 =	vsel vm0, v6, v2;
	vm14 =	veq.s32 v60, v0;
	v62 =	vbroadcast v61, $0xF  }
0xee: {  	vm15 =	veq.s32 v63, v0;
	v2 =	vsel vm14, v3, v2  }
0xef: {  	s5 =	sand.u32 $0x3FFFFFF0, s5;
	v2 =	vsel vm15, v62, v2  }
0xf0: {  	s18 =	sadd.s32 $0x800, s18;
	s20 =	sadd.s32 $0x800, s20;
	[tilespmem:v1+s5+$0x0 ss:$0x1] =	vst.idx.msk $0xffff, v2  }
0xf1: {  	s5 =	sadd.s32 s7, s14;
	s14 =	sadd.s32 $0x1, s14  }
0xf2: {  	p0 =	sne.s32 s14, $0x7D  }
.Ltmp5:
0xf3: {  	_ = 	snop;
	(pc) =	sbr.rel @p0 .LBB2_8-.Ltmp5, $3  }
0xf4: {  	s5 =	smul.u32 $0xA, s5;
	_ =	sdelay $0x1  }
0xf5: {  	s15 =	sadd.s32 $0x2800, s15;
	s16 =	sadd.s32 $0x2800, s16;
	s5 =	sadd.s32 s2, s5  }
0xf6: {  	[hbm4b:s5+s3] =	stream.linear.scatter [tilespmem:s19], [sflag:s17], $0x50, $0x38;
	[tilespmem:$0x1E300] =	vst v63  }
0xf7: {  	_ =	swait.ge [sflag:s30], $0x50  }
0xf8: {  	[sflag:s30] =	ssyncset.done $0x0  }
0xf9: {  	[sflag:s30] =	ssyncadd.s32 $0xFFFFFFB0  }
0xfa: {  	_ =	swait.ge [sflag:s31], $0x50  }
0xfb: {  	[sflag:s31] =	ssyncset.done $0x0  }
0xfc: {  	[sflag:s31] =	ssyncadd.s32 $0xFFFFFFB0  }
0xfd: {  	_ =	swait.ge [sflag:s1], $0x50  }
0xfe: {  	[sflag:s1] =	ssyncset.done $0x0  }
0xff: {  	s13 =	sadd.s32 $0x1, s13;
	[sflag:s1] =	ssyncadd.s32 $0xFFFFFFB0  }
0x100: {  	p0 =	sne.s32 s13, s8;
	_ =	swait.ge [sflag:s0], $0x50  }
.Ltmp6:
0x101: {  	[sflag:s0] =	ssyncset.done $0x0;
	(pc) =	sbr.rel @p0 .LBB2_1-.Ltmp6, $4  }
0x102: {  	[sflag:s0] =	ssyncadd.s32 $0xFFFFFFB0  }
0x103: {  	_ =	swait.ge [sflag:s12], $0x50  }
0x104: {  	[sflag:s12] =	ssyncset.done $0x0  }
0x105: {  	[sflag:s12] =	ssyncadd.s32 $0xFFFFFFB0  }
0x106: {  	_ =	sfence.sel $0x180000  }
0x107: {  	[bflag:$0x0] =	sbarrier.arrive $0xFFFF  }
0x108: {  	_ =	strace $0x9000004D  }
0x109: {  	s0 =	stileid.u32;
	[bflag:$0x2] =	sbarrier.arrive $0xFFFF  }
0x10a: {  	p0 =	sne.s32 s0, $0x0;
	s0 =	rddreg [dreg:$0x2]  }
0x10b: {  	s0 =	sadd.s32 @!p0 $0x100000, s0  }
0x10c: {  	[sflag:s0] =	ssyncadd.tile.s32 @!p0 $0x1;
	_ =	shalt  }
.Lfunc_end2:
_tile_overlayer_lowered:
.L_overlay_start_2:
0x10d: {  	(tag) =	ssettag $0x2  }
0x10e: {  	s0 =	rddreg [dreg:$0x0];
	s2 =	stileid.u32  }
0x10f: {  	s1 =	rddreg [dreg:$0x1];
	p0 =	sne.s32 s2, $0x0  }
0x110: {  	s3 =	rddreg [dreg:$0x2];
	[bflag:$0x3] =	sbarrier.arrive $0xFFFF;
	s2 =	simm.s32 @!p0 $0x1C10  }
0x111: {  	[timem:s3], [sflag:s2] =	dma.local @!p0 [hbm:s0], s1  }
0x112: {  	s0 =	simm.s32 @!p0 $0x10  }
0x113: {  	_ =	swait.ge @!p0 [sflag:s0], s1  }
0x114: {  	s1 =	ssub.s32 @!p0 $0x0, s1;
	[sflag:s0] =	ssyncset.done @!p0 $0x0  }
0x115: {  	[sflag:s0] =	ssyncadd.s32 @!p0 s1  }
0x116: {  	[bflag:$0x3] =	sbarrier.arrive $0xFFFF  }
0x117: {  	_ =	shalt  }

// kernel: kernel.7.cloned.1.call-start
scs
__scs_entry_jumppad:
0x0: {  	(pc) =	sbr.rel $0x88, $3  }
0x1: {  	(tag) =	ssettag $0x0;
	lr =	simm.s32 $0x1  }
0x2: {  	[smem:$0x3F9A] =	sst lr;
	_ =	strace $0xD0000000  }
0x3: {  	_ = 	snop  }
0x4: {  	_ = 	snop  }
0x5: {  	_ = 	snop  }
0x6: {  	_ = 	snop  }
0x7: {  	_ = 	snop  }
__scs_overlays_trampoline_lowered:
0x8: {  	[smem:$0x3FA9] =	sst s0  }
0x9: {  	[smem:$0x3FAA] =	sst s1  }
0xa: {  	[smem:$0x3FAB] =	sst s2  }
0xb: {  	[smem:$0x3FAC] =	sst s3  }
0xc: {  	[smem:$0x3FAD] =	sst s4  }
0xd: {  	[smem:$0x3FAE] =	sst s5  }
0xe: {  	[smem:$0x3FAF] =	sst s6  }
0xf: {  	[smem:$0x3FB0] =	sst s7  }
0x10: {  	[smem:$0x3FB1] =	sst s8  }
0x11: {  	[smem:$0x3FB2] =	sst s9;
	s0 =	simm.s32 @!p0 $0x0  }
0x12: {  	s1 =	sld [smem:$0x3F98];
	s0 =	simm.s32 @p0 $0x1  }
0x13: {  	[smem:$0x3FB3] =	sst s0;
	s0 =	simm.s32 @!p1 $0x0  }
0x14: {  	s2 =	sld [smem:$0x3F97];
	s0 =	simm.s32 @p1 $0x1  }
0x15: {  	[smem:$0x3FB4] =	sst s0;
	s0 =	simm.s32 @!p2 $0x0  }
0x16: {  	s3 =	sld [smem:$0x3FDB];
	s0 =	simm.s32 @p2 $0x1  }
0x17: {  	s4 =	simm.s32 $0x1BF5;
	[smem:$0x3FB6] =	sst s0  }
0x18: {  	s0 =	sld [smem:$0x3F99];
	_ =	swait.ge [sflag:s4], $0x0  }
0x19: {  	s7 =	sld [smem:$0x3F9A]  }
0x1a: {  	s8 =	sadd.s32 $0xFFFFE003, lr  }
0x1b: {  	s9 =	sadd.s32 $0xFFFFFEF7, lr;
	s5 =	simm.s32 $0xFFFFFFFF;
	p2 =	slt.u32 s8, $0xFFFFF086  }
0x1c: {  	p1 =	slt.u32 s9, $0xF7A;
	s5 =	simm.s32 @!p2 $0x0  }
0x1d: {  	s5 =	simm.s32 @p1 $0x1;
	p0 =	seq.s32 s7, s2  }
0x1e: {  	s7 =	smul.u32 @!p0 $0xF7A, s2;
	p2 =	seq.s32 @!p0 s5, $0x0  }
0x1f: {  	s9 =	smul.u32 $0xF7A, s1;
	s8 =	simm.s32 @!p0 $0x1BF5;
	p2 =	por !p2, p0  }
0x20: {  	[sflag:s8] =	ssyncset.s32 @!p0 $0xFFFFF086;
	s6 =	sadd.s32 @!p0 s3, s7;
	s7 =	simm.s32 @!p0 $0x108  }
0x21: {  	s3 =	sadd.s32 s3, s9;
	s6 =	sadd.s32 @!p0 $0x88, s6;
	s7 =	simm.s32 @p2 $0x1082  }
0x22: {  	[simem:s7], [sflag:s8] =	dma.local @!p0 [hbm:s6], $0xF7A  }
0x23: {  	s9 =	sor.u32 $0xD0000000, s2;
	s6 =	simm.s32 $0x108;
	_ =	swait.ge @!p0 [sflag:s8], $0x0  }
0x24: {  	s3 =	sadd.s32 $0x88, s3;
	s6 =	simm.s32 @!p1 $0x1082;
	[sflag:s4] =	ssyncset.s32 $0xFFFFF086  }
0x25: {  	[simem:s6], [sflag:s4] =	dma.local [hbm:s3], $0xF7A  }
0x26: {  	[smem:$0x3F9A] =	sst s1;
	(tag) =	ssettag s2;
	_ =	strace s9  }
0x27: {  	s1 =	sld [smem:$0x3FAA]  }
0x28: {  	s2 =	sld [smem:$0x3FAB]  }
0x29: {  	s4 =	sld [smem:$0x3FAD]  }
0x2a: {  	p0 =	seq.s32 s5, $0x0;
	s5 =	sld [smem:$0x3FAE]  }
0x2b: {  	s6 =	sld [smem:$0x3FAF]  }
0x2c: {  	s7 =	sld [smem:$0x3FB0]  }
0x2d: {  	s3 =	simm.s32 $0x108;
	s8 =	sld [smem:$0x3FB1]  }
0x2e: {  	s3 =	simm.s32 @!p0 $0x1082;
	s9 =	sld [smem:$0x3FB2]  }
0x2f: {  	lr =	sadd.s32 s0, s3;
	s0 =	sld [smem:$0x3FA9]  }
0x30: {  	s3 =	sld [smem:$0x3FAC]  }
0x31: {  	[smem:$0x3FB5] =	sst s10  }
0x32: {  	s10 =	sld [smem:$0x3FB3];
	_ =	sdelay $0x3  }
0x33: {  	p0 =	seq.s32 s10, $0x1;
	s10 =	sld [smem:$0x3FB5];
	_ =	sdelay $0x3  }
0x34: {  	[smem:$0x3FB5] =	sst s10  }
0x35: {  	s10 =	sld [smem:$0x3FB4];
	_ =	sdelay $0x3  }
0x36: {  	p1 =	seq.s32 s10, $0x1;
	s10 =	sld [smem:$0x3FB5];
	_ =	sdelay $0x3  }
0x37: {  	[smem:$0x3FB5] =	sst s10  }
0x38: {  	s10 =	sld [smem:$0x3FB6]  }
0x39: {  	_ = 	snop;
	(pc) =	sbr.ind lr, $3  }
0x3a: {  	_ = 	snop  }
0x3b: {  	_ = 	snop  }
0x3c: {  	p2 =	seq.s32 s10, $0x1;
	s10 =	sld [smem:$0x3FB5]  }
0x3d: {  	_ =	shalt  }
0x3e: {  	_ =	shalt  }
0x3f: {  	_ =	shalt  }
0x40: {  	_ =	shalt  }
0x41: {  	_ =	shalt  }
0x42: {  	_ =	shalt  }
0x43: {  	_ =	shalt  }
0x44: {  	_ =	shalt  }
0x45: {  	_ =	shalt  }
0x46: {  	_ =	shalt  }
0x47: {  	_ =	shalt  }
0x48: {  	_ =	shalt  }
0x49: {  	_ =	shalt  }
0x4a: {  	_ =	shalt  }
0x4b: {  	_ =	shalt  }
0x4c: {  	_ =	shalt  }
0x4d: {  	_ =	shalt  }
0x4e: {  	_ =	shalt  }
0x4f: {  	_ =	shalt  }
0x50: {  	_ =	shalt  }
0x51: {  	_ =	shalt  }
0x52: {  	_ =	shalt  }
0x53: {  	_ =	shalt  }
0x54: {  	_ =	shalt  }
0x55: {  	_ =	shalt  }
0x56: {  	_ =	shalt  }
0x57: {  	_ =	shalt  }
0x58: {  	_ =	shalt  }
0x59: {  	_ =	shalt  }
0x5a: {  	_ =	shalt  }
0x5b: {  	_ =	shalt  }
0x5c: {  	_ =	shalt  }
0x5d: {  	_ =	shalt  }
0x5e: {  	_ =	shalt  }
0x5f: {  	_ =	shalt  }
0x60: {  	_ =	shalt  }
0x61: {  	_ =	shalt  }
0x62: {  	_ =	shalt  }
0x63: {  	_ =	shalt  }
0x64: {  	_ =	shalt  }
0x65: {  	_ =	shalt  }
0x66: {  	_ =	shalt  }
0x67: {  	_ =	shalt  }
0x68: {  	_ =	shalt  }
0x69: {  	_ =	shalt  }
0x6a: {  	_ =	shalt  }
0x6b: {  	_ =	shalt  }
0x6c: {  	_ =	shalt  }
0x6d: {  	_ =	shalt  }
0x6e: {  	_ =	shalt  }
0x6f: {  	_ =	shalt  }
0x70: {  	_ =	shalt  }
0x71: {  	_ =	shalt  }
0x72: {  	_ =	shalt  }
0x73: {  	_ =	shalt  }
0x74: {  	_ =	shalt  }
0x75: {  	_ =	shalt  }
0x76: {  	_ =	shalt  }
0x77: {  	_ =	shalt  }
0x78: {  	_ =	shalt  }
0x79: {  	_ =	shalt  }
0x7a: {  	_ =	shalt  }
0x7b: {  	_ =	shalt  }
0x7c: {  	_ =	shalt  }
0x7d: {  	_ =	shalt  }
0x7e: {  	_ =	shalt  }
0x7f: {  	_ =	shalt  }
0x80: {  	_ =	shalt  }
0x81: {  	_ =	shalt  }
0x82: {  	_ =	shalt  }
0x83: {  	_ =	shalt  }
0x84: {  	_ =	shalt  }
0x85: {  	_ =	shalt  }
0x86: {  	_ =	shalt  }
0x87: {  	_ =	shalt  }
.Lfunc_end0:
.L_simem_size_0:
called_computation_lowered:
.L_overlay_start_0:
0x88: {  	s2 =	sld [smem:$0x3FD9]  }
0x89: {  	s3 =	sld [smem:$0x3FFE];
	_ =	sdelay $0x1  }
0x8a: {  	s1 =	srdreg.scid  }
0x8b: {  	s0 =	sand.u32 $0x1, s1  }
0x8c: {  	s16 =	sshll.u32 s0, $0xA;
	s2 =	sadd.s32 s3, s2  }
0x8d: {  	s2 =	sadd.s32 s2, s16  }
0x8e: {  	[smem:$0x3FC1] =	sst s2  }
0x8f: {  	_ = 	snop  }
0x90: {  	(tm) =	ssettm $0x1  }
0x91: {  	s17 =	sld [smem:$0x3FFB];
	_ =	sdelay $0x3  }
0x92: {  	_ =	strace s17  }
0x93: {  	s2 =	sld [smem:$0x3FFC];
	_ =	sdelay $0x3  }
0x94: {  	_ =	strace s2  }
0x95: {  	s2 =	sld [smem:$0x3FFD];
	_ =	sdelay $0x3  }
0x96: {  	_ =	strace s2  }
0x97: {  	_ =	strace $0x8FFFFFFF  }
0x98: {  	s18 =	sld [smem:$0x3FDB];
	_ =	sdelay $0x1  }
0x99: {  	s19 =	simm.s32 $_scs_section_size  }
0x9a: {  	s4 =	simm.s32 $_size__tile_overlayer_lowered;
	s5 =	simm.s32 $_tile_overlayer_lowered  }
0x9b: {  	s22 =	simm.s32 $0x1BFF;
	s21 =	sshll.u32 s5, $0x1;
	s2 =	sadd.s32 s19, s18  }
0x9c: {  	s6 =	simm.s32 $0x0;
	s20 =	sshll.u32 s4, $0x1;
	s4 =	sadd.s32 s21, s2  }
0x9d: {  	[timem:s6], [sflag:s22] =	dma.local [hbm:s4], s20  }
0x9e: {  	_ =	swait.ge [sflag:s22], s20  }
0x9f: {  	s3 =	ssub.s32 $0x0, s20;
	[sflag:s22] =	ssyncset.done $0x0  }
0xa0: {  	[sflag:s22] =	ssyncadd.s32 s3;
	_ =	sdelay $0x1  }
0xa1: {  	s23 =	simm.s32 $0x1B8B  }
0xa2: {  	_ =	swait.ge [sflag:s23], $0x1  }
0xa3: {  	[sflag:s23] =	ssyncset.done $0x0  }
0xa4: {  	s25 =	simm.s32 $0x1B8E;
	s24 =	sld [smem:$0x3FFE];
	[sflag:s23] =	ssyncadd.s32 $0xFFFFFFFF  }
0xa5: {  	s26 =	simm.s32 $execute0_lowered;
	[smem:$0x3FD2] =	sst s25  }
0xa6: {  	s4 =	sshll.u32 s26, $0x1;
	_ =	strace $0x80000046;
	[dreg:$0x1] =	wrdreg $0xFFFFFFFF  }
0xa7: {  	s28 =	simm.s32 $_size_execute0_lowered;
	s2 =	sadd.s32 s2, s4;
	[dreg:$0x0] =	wrdreg $0x0  }
0xa8: {  	s4 =	sshll.u32 s28, $0x1;
	[dreg:$0x2] =	wrdreg s2  }
0xa9: {  	[dreg:$0x3] =	wrdreg s4  }
0xaa: {  	[dreg:$0x4] =	wrdreg $0xC0  }
0xab: {  	_ =	task [dreg:s6], $0x5FFFF  }
0xac: {  	[dreg:$0x1] =	wrdreg $0xFFFFFFFF  }
0xad: {  	[dreg:$0x0] =	wrdreg $0x60  }
0xae: {  	[dreg:$0x2] =	wrdreg s24  }
0xaf: {  	[dreg:$0x3] =	wrdreg $0x9  }
0xb0: {  	_ =	task.clear_ibuf [dreg:s6], $0x4FFFF;
	_ =	strace $0x90000046  }
0xb1: {  	s29 =	simm.s32 $0x9;
	_ =	strace $0x80000048  }
0xb2: {  	_ =	swait.ge [sflag:s29], $0x1  }
0xb3: {  	[sflag:s29] =	ssyncadd.s32 $0xFFFFFFFF  }
0xb4: {  	_ =	strace $0x90000048  }
0xb5: {  	_ =	sfence  }
0xb6: {  	s30 =	sld [smem:$0x0];
	_ =	sdelay $0x2  }
0xb7: {  	s31 =	sshll.u32 s1, $0xD;
	s1 =	sshrl.u32 s1, $0x2  }
0xb8: {  	s3 =	sand.u32 $0x4000, s31;
	s1 =	sadd.s32 s1, s30  }
0xb9: {  	s0 =	sor.u32 s3, s0;
	s1 =	sshll.u32 s1, $0x11  }
0xba: {  	s0 =	sor.u32 s1, s0  }
0xbb: {  	s0 =	sadd.s32 $0x8F2B, s0  }
0xbc: {  	[sflag:s0] =	ssyncadd.remote.s32 $0x1  }
0xbd: {  	_ =	sfence.sel $0xFFFF  }
0xbe: {  	[dreg:$0x0] =	wrdreg $0xFFFFFFFF;
	(pc) =	sbr.abs _section_cstart, $3  }
0xbf: {  	[dreg:$0x1] =	wrdreg $0xFFFFFFFF  }
0xc0: {  	_ =	task.clear_ibuf [dreg:s6], $0x2FFFF;
	_ =	strace $0x9FFFFFFF  }
0xc1: {  	(tm) =	ssettm $0x7FFFFFFF  }
tec
execute0_lowered:
.L_overlay_start_1:
0x0: {  	(tag) =	ssettag $0x1  }
0x1: {  	s1 =	srdreg.scid;
	s0 =	stileid.u32  }
0x2: {  	s4 =	sand.u32 $0x1, s1;
	s2 =	sshll.u32 s0, $0x1  }
0x3: {  	s3 =	rddreg [dreg:$0x0];
	s5 =	sor.u32 s4, s2  }
0x4: {  	s7 =	simm.s32 $0x2780;
	s8 =	simm.s32 $0x0;
	s5 =	smul.u32 $0x4E2, s5  }
0x5: {  	s1 =	rddreg [dreg:$0x1];
	s2 =	simm.s32 $0x0;
	s4 =	ssub.s32 $0x2, s4  }
0x6: {  	[smem:$0x7FF] =	sst s2;
	s6 =	sshrl.u32 s4, $0x1;
	s5 =	sadd.s32 s5, s3  }
0x7: {  	_ =	strace $0x80000047;
	s6 =	ssub.s32 s4, s6;
	s3 =	sadd.s32 $0x1800, s5  }
0x8: {  	v0 =	vimm.f32 $0.0e+00;
	v1 =	vimm.f32 $1.000000000e+00;
	s4 =	sadd.s32 $0xB600, s5;
	s5 =	smax.u32 s6, $0x1;
	s6 =	simm.s32 $0x1  }
.LBB2_1:
0x9: {  	[tilespmem:s2], [sflag:$0x1] =	stream.linear.gather [hbm4b:s3+s2], $0x2710, $0x38;
	[tilespmem:$0x4F00] =	vst v63  }
0xa: {  	_ =	swait.ge [sflag:s6], $0x2710  }
0xb: {  	[sflag:s6] =	ssyncset.done $0x0  }
0xc: {  	s9 =	simm.s32 $0x0;
	[sflag:s6] =	ssyncadd.s32 $0xFFFFD8F0  }
.LBB2_2:
0xd: {  	p0 =	sne.s32 s9, $0x9C00  }
.Ltmp0:
0xe: {  	_ = 	snop;
	(pc) =	sbr.rel @p0 .LBB2_2-.Ltmp0, $3  }
0xf: {  	_ =	sdelay $0x1  }
0x10: {  	s10 =	sshra.s32 s9, $0x2  }
0x11: {  	s9 =	sadd.s32 $0x40, s9;
	[tilespmem:s10+$0x2780] =	vst v0  }
0x12: {  	s10 =	simm.s32 $0x0;
	s9 =	simm.s32 $0x40  }
.LBB2_4:
0x13: {  	p0 =	sne.s32 s9, $0x9C00;
	v2 =	vld [tilespmem:s10+$0x0];
	_ =	sdelay $0x3  }
.Ltmp1:
0x14: {  	(pc) =	sbr.rel @p0 .LBB2_4-.Ltmp1, $2  }
0x15: {  	_ =	sdelay $0x2  }
0x16: {  	s10 =	sshra.s32 s9, $0x2;
	s9 =	sadd.s32 $0x40, s9;
	[tilespmem:v2+s7+$0x0] =	vst.idx.add.f32.msk $0xffff, v1  }
0x17: {  	v2 =	vld [tilespmem:s10+$0x0];
	_ =	sdelay $0x5  }
0x18: {  	s8 =	sadd.s32 $0x1, s8  }
0x19: {  	p0 =	sne.s32 s8, s5  }
.Ltmp2:
0x1a: {  	[tilespmem:v2+s7+$0x0] =	vst.idx.add.f32.msk $0xffff, v1;
	(pc) =	sbr.rel @p0 .LBB2_1-.Ltmp2, $4  }
0x1b: {  	[hbm4b:s4+s2] =	stream.linear.scatter [tilespmem:s7], [sflag:$0x1], $0x2710, $0x38;
	[tilespmem:$0x4F00] =	vst v63  }
0x1c: {  	_ =	swait.ge [sflag:s6], $0x2710  }
0x1d: {  	[sflag:s6] =	ssyncset.done $0x0  }
0x1e: {  	[sflag:s6] =	ssyncadd.s32 $0xFFFFD8F0  }
0x1f: {  	_ =	sfence.sel $0x180000  }
0x20: {  	[bflag:$0x0] =	sbarrier.arrive $0xFFFF  }
0x21: {  	p0 =	sne.s32 s0, $0x0;
	_ =	strace $0x90000047  }
0x22: {  	s0 =	sadd.s32 @!p0 $0x100000, s1;
	[bflag:$0x2] =	sbarrier.arrive $0xFFFF  }
0x23: {  	[sflag:s0] =	ssyncadd.tile.s32 @!p0 $0x1;
	_ =	shalt  }
.Lfunc_end2:
_tile_overlayer_lowered:
.L_overlay_start_2:
0x24: {  	(tag) =	ssettag $0x2  }
0x25: {  	s0 =	rddreg [dreg:$0x0];
	s2 =	stileid.u32  }
0x26: {  	s1 =	rddreg [dreg:$0x1];
	p0 =	sne.s32 s2, $0x0  }
0x27: {  	s3 =	rddreg [dreg:$0x2];
	[bflag:$0x3] =	sbarrier.arrive $0xFFFF;
	s2 =	simm.s32 @!p0 $0x1C01  }
0x28: {  	[timem:s3], [sflag:s2] =	dma.local @!p0 [hbm:s0], s1  }
0x29: {  	s0 =	simm.s32 @!p0 $0x1  }
0x2a: {  	_ =	swait.ge @!p0 [sflag:s0], s1  }
0x2b: {  	s1 =	ssub.s32 @!p0 $0x0, s1;
	[sflag:s0] =	ssyncset.done @!p0 $0x0  }
0x2c: {  	[sflag:s0] =	ssyncadd.s32 @!p0 s1  }
0x2d: {  	[bflag:$0x3] =	sbarrier.arrive $0xFFFF  }
0x2e: {  	_ =	shalt  }

</sc_bundles>
